<compile_context>
chip_gen: v7x
topology: tpu7x:2x2x1
jax: 0.10.2.dev20260603
libtpu: 0.0.44.dev20260713+nightly
codegen_flags: <defaults>
</compile_context>

<pallas_src>
import functools

import jax
import jax.numpy as jnp
from jax import lax
from jax.experimental import pallas as pl
from jax.experimental.pallas import tpu as pltpu
from jax.experimental.pallas import tpu_sc as plsc

_N, _D, _E = 10000, 128, 320000
_NW = 32
_EPW = _E // _NW
_C = 200
_NCHUNK = _EPW // _C
_G = _D // 16
_W = _D // 2
_RPT = 320
_U = 4

_mesh = plsc.VectorSubcoreMesh(core_axis_name="c", subcore_axis_name="s")
_params = pltpu.CompilerParams(
    needs_layout_passes=False, use_tc_tiling_on_sc=False)


@functools.partial(
    pl.kernel,
    out_type=(jax.ShapeDtypeStruct((_N, _W), jnp.int32),
              jax.ShapeDtypeStruct((_NW, 16), jnp.float32)),
    mesh=_mesh,
    scratch_types=[
        pltpu.VMEM((_RPT, _D), jnp.float32),
        pltpu.VMEM((_RPT, _W), jnp.int32),
        pltpu.VMEM((_D,), jnp.float32),
        pltpu.VMEM((_D,), jnp.float32),
        pltpu.VMEM((16,), jnp.float32),
    ],
    compiler_params=_params,
)
def _sc_pack(x_hbm, ws_hbm, we_hbm, pk_hbm, each_hbm, rows, pk, wsv, wev, res):
    wid = lax.axis_index("s") * 2 + lax.axis_index("c")
    base = wid * _RPT
    pltpu.sync_copy(ws_hbm, wsv)
    pltpu.sync_copy(we_hbm, wev)
    ws = [wsv[pl.ds(g * 16, 16)] for g in range(_G)]
    we = [wev[pl.ds(g * 16, 16)] for g in range(_G)]

    def pack_rows(r, acc):
        new = list(acc)
        for j in range(_G // 2):
            a = rows[r, pl.ds(j * 32, 16)]
            b = rows[r, pl.ds(j * 32 + 16, 16)]
            new[2 * j] = new[2 * j] + a * we[2 * j]
            new[2 * j + 1] = new[2 * j + 1] + b * we[2 * j + 1]
            ab = plsc.pack(a * ws[2 * j], b * ws[2 * j + 1],
                           format=plsc.PackFormat.INTERLEAVED)
            pk[r, pl.ds(j * 16, 16)] = plsc.bitcast(ab, jnp.int32)
        return tuple(new)

    zeros = tuple(jnp.zeros((16,), jnp.float32) for _ in range(_G))

    @pl.when(wid < _NW - 1)
    def _():
        pltpu.sync_copy(x_hbm.at[0, pl.ds(base, _RPT)], rows)
        acc = lax.fori_loop(0, _RPT, pack_rows, zeros)
        pltpu.sync_copy(pk, pk_hbm.at[pl.ds(base, _RPT)])
        tot = acc[0]
        for g in range(1, _G):
            tot = tot + acc[g]
        res[...] = tot
        pltpu.sync_copy(res, each_hbm.at[wid])

    @pl.when(wid == _NW - 1)
    def _():
        tail = _N - (_NW - 1) * _RPT
        pltpu.sync_copy(x_hbm.at[0, pl.ds(base, tail)], rows.at[pl.ds(0, tail)])
        acc = lax.fori_loop(0, tail, pack_rows, zeros)
        pltpu.sync_copy(pk.at[pl.ds(0, tail)], pk_hbm.at[pl.ds(base, tail)])
        tot = acc[0]
        for g in range(1, _G):
            tot = tot + acc[g]
        res[...] = tot
        pltpu.sync_copy(res, each_hbm.at[wid])


@functools.partial(
    pl.kernel,
    out_type=jax.ShapeDtypeStruct((_NW, 16), jnp.float32),
    mesh=_mesh,
    scratch_types=[
        pltpu.VMEM((_EPW,), jnp.int32),
        pltpu.VMEM((_EPW,), jnp.int32),
        pltpu.VMEM((_C, _W), jnp.int32),
        pltpu.VMEM((_C, _W), jnp.int32),
        pltpu.VMEM((_C, _W), jnp.int32),
        pltpu.VMEM((_C, _W), jnp.int32),
        pltpu.VMEM((_D,), jnp.float32),
        pltpu.VMEM((16,), jnp.float32),
        pltpu.VMEM_SHARED((_N, _W), jnp.int32),
        pltpu.SemaphoreType.DMA,
        pltpu.SemaphoreType.DMA,
        pltpu.SemaphoreType.DMA,
        pltpu.SemaphoreType.DMA,
    ],
    compiler_params=_params,
)
def _sc_edge_sum(x_hbm, eidx_hbm, wsg_hbm, out_hbm,
                 sidx, didx, sr0, dr0, sr1, dr1, wv, res, xsp,
                 ss0, sd0, ss1, sd1):
    wid = lax.axis_index("s") * 2 + lax.axis_index("c")
    sid = lax.axis_index("s")
    base_t = wid * _EPW
    _RS = _N // 16
    pltpu.sync_copy(x_hbm.at[pl.ds(sid * _RS, _RS)], xsp.at[pl.ds(sid * _RS, _RS)])
    pltpu.sync_copy(eidx_hbm.at[0, pl.ds(base_t, _EPW)], sidx)
    pltpu.sync_copy(eidx_hbm.at[1, pl.ds(base_t, _EPW)], didx)
    pltpu.sync_copy(wsg_hbm, wv)
    plsc.subcore_barrier()
    srows, drows = [sr0, sr1], [dr0, dr1]
    ssem, dsem = [ss0, ss1], [sd0, sd1]

    def start(cid, b):
        pltpu.async_copy(x_hbm.at[sidx.at[pl.ds(cid * _C, _C)]], srows[b], ssem[b])
        pltpu.async_copy(xsp.at[didx.at[pl.ds(cid * _C, _C)]], drows[b], dsem[b])

    start(0, 0)
    start(1, 1)

    def outer(k, accs):
        for b in range(2):
            cid = k * 2 + b
            pltpu.make_async_copy(x_hbm.at[pl.ds(0, _C)], srows[b], ssem[b]).wait()
            pltpu.make_async_copy(x_hbm.at[pl.ds(0, _C)], drows[b], dsem[b]).wait()
            sr, dr = srows[b], drows[b]

            def edgeu(e, a, sr=sr, dr=dr):
                new = list(a)
                for u in range(_U):
                    for j in range(_G // 2):
                        si = sr[_U * e + u, pl.ds(j * 16, 16)]
                        di = dr[_U * e + u, pl.ds(j * 16, 16)]
                        df = (plsc.bitcast(si, jnp.bfloat16)
                              - plsc.bitcast(di, jnp.bfloat16))
                        sq = df * df
                        e0, e1 = plsc.unpack(sq, format=plsc.PackFormat.INTERLEAVED)
                        new[2 * j] = new[2 * j] + e0
                        new[2 * j + 1] = new[2 * j + 1] + e1
                return tuple(new)

            accs = lax.fori_loop(0, _C // _U, edgeu, accs)

            @pl.when(cid + 2 < _NCHUNK)
            def _():
                start(cid + 2, b)
        return accs

    accs = lax.fori_loop(
        0, _NCHUNK // 2, outer,
        tuple(jnp.zeros((16,), jnp.float32) for _ in range(_G)))
    tot = accs[0] * wv[pl.ds(0, 16)]
    for g in range(1, _G):
        tot = tot + accs[g] * wv[pl.ds(g * 16, 16)]
    res[...] = tot
    pltpu.sync_copy(res, out_hbm.at[wid])


def _tc_finish_body(pair_ref, each_ref, out_ref):
    tot = jnp.sum(pair_ref[...]) + jnp.sum(each_ref[...])
    out_ref[...] = jnp.reshape(tot, (1, 1))


def _tc_finish(pair_p, each_p):
    return pl.pallas_call(
        _tc_finish_body,
        out_shape=jax.ShapeDtypeStruct((1, 1), jnp.float32),
    )(pair_p, each_p)


def kernel(x, edge_idx, w_pair, w_each):
    b, n, d = x.shape
    wpu = jax.lax.bitcast_convert_type(w_pair.reshape(d), jnp.int32)
    wpu = (wpu + 32767 + (jax.lax.shift_right_logical(wpu, 16) & 1)) & (-65536)
    wp = jax.lax.bitcast_convert_type(wpu, jnp.float32)
    wscale = jnp.sqrt(jnp.abs(wp))
    wsign = jnp.sign(wp)
    xpk, each_p = _sc_pack(x, wscale, w_each.reshape(d))
    partials = _sc_edge_sum(xpk, edge_idx, wsign)
    out = _tc_finish(partials, each_p)
    return out.reshape(b)

# --- scband reference (transcript-rebuilt; emitter-appended) ---
"""Pipeline reference for scband-vfunc-18124761989532 (READ-ONLY COPY).

The authoritative reference and input builder live on the scoring server;
editing this copy changes nothing except your own understanding.
"""

import jax, jax.numpy as jnp
import numpy as np

B, N, D = 1, 10000, 128
E = 320000

def setup_inputs(seed: int = 0) -> dict:
    key = jax.random.key(seed)
    k1, k2, k3, k4 = jax.random.split(key, 4)
    x = jax.random.normal(k1, (B, N, D), dtype=jnp.float32)
    edge_idx = jax.random.randint(k2, (2, E), 0, N, dtype=jnp.int32)
    # Learned parameters for the pair_func (v_ij) and each_func (v_i).
    w_pair = jax.random.normal(k3, (D, 1), dtype=jnp.float32) * 0.1
    w_each = jax.random.normal(k4, (D, 1), dtype=jnp.float32) * 0.1
    return {"x": x, "edge_idx": edge_idx, "w_pair": w_pair, "w_each": w_each}

def reference(x, edge_idx, w_pair, w_each):
    batch_size, n, d = x.shape
    xf = x.reshape(batch_size * n, d)
    out = jnp.zeros((batch_size * n,), dtype=xf.dtype)
    # pair_func: v_ij(x_i, x_j) = sum_d w_pair_d * (x_i - x_j)^2, scatter-added to dst node
    src = edge_idx[0]
    dst = edge_idx[1]
    diff = jnp.take(xf, src, axis=0) - jnp.take(xf, dst, axis=0)  # [E, d] gathers
    m = (diff * diff) @ w_pair  # [E, 1]
    pair = jnp.zeros((batch_size * n, 1), dtype=xf.dtype).at[dst].add(m)  # scatter-add
    out = out + pair.squeeze(-1)
    # each_func: v_i(x_i) = x_i @ w_each
    each = xf @ w_each  # [B*n, 1]
    out = out + each.squeeze(-1)
    out = out.reshape(batch_size, n).sum(axis=-1)
    return out

if __name__ == "__main__":
    import jax
    _d = setup_inputs()
    print(jax.jit(kernel)(*tuple(_d.values())))

</pallas_src>

<mosaic_0001>
#map = affine_map<(d0, d1) -> (0, 0, 0)>
#map1 = affine_map<(d0, d1) -> (0)>
#map2 = affine_map<(d0, d1) -> (0, 0)>
module attributes {stable_mosaic.version = 14 : i64} {
  func.func @_sc_pack(%arg0: i32, %arg1: i32, %arg2: memref<1x10000x128xf32, #tpu.memory_space<hbm>>, %arg3: memref<128xf32, #tpu.memory_space<hbm>>, %arg4: memref<128xf32, #tpu.memory_space<hbm>>, %arg5: memref<10000x64xi32, #tpu.memory_space<hbm>>, %arg6: memref<32x16xf32, #tpu.memory_space<hbm>>, %arg7: memref<320x128xf32, #tpu.memory_space<vmem>>, %arg8: memref<320x64xi32, #tpu.memory_space<vmem>>, %arg9: memref<128xf32, #tpu.memory_space<vmem>>, %arg10: memref<128xf32, #tpu.memory_space<vmem>>, %arg11: memref<16xf32, #tpu.memory_space<vmem>>) attributes {dimension_semantics = [#tpu.dimension_semantics<core_parallel>, #tpu.dimension_semantics<subcore_parallel>], iteration_bounds = array<i64: 2, 16>, scalar_prefetch = 0 : i64, scratch_operands = 5 : i64, tpu.core_type = #tpu.core_type<sc_vector_subcore>, window_params = [{transform_indices = #map}, {transform_indices = #map1}, {transform_indices = #map1}, {transform_indices = #map2}, {transform_indices = #map2}]} {
    %mul3A = arith.constant 2 : i32
    %mul3A_0 = arith.muli %arg1, %mul3A : i32
    %add3A = arith.addi %mul3A_0, %arg0 : i32
    %mul3A_1 = arith.constant 320 : i32
    %mul3A_2 = arith.muli %add3A, %mul3A_1 : i32
    "tpu.region"() ({
      %run_scoped3A = tpu.sem_alloc : memref<!tpu.dma_semaphore, #tpu.memory_space<semaphore_mem>>
      tpu.enqueue_dma source(%arg3 : memref<128xf32, #tpu.memory_space<hbm>>) target(%arg9 : memref<128xf32, #tpu.memory_space<vmem>>) target_semaphore(%run_scoped3A : memref<!tpu.dma_semaphore, #tpu.memory_space<semaphore_mem>>)
      tpu.wait_dma2 semaphore(%run_scoped3A : memref<!tpu.dma_semaphore, #tpu.memory_space<semaphore_mem>>) src(%arg3 : memref<128xf32, #tpu.memory_space<hbm>>) dst(%arg9 : memref<128xf32, #tpu.memory_space<vmem>>)
      tpu.yield
    }) : () -> ()
    "tpu.region"() ({
      %run_scoped3A = tpu.sem_alloc : memref<!tpu.dma_semaphore, #tpu.memory_space<semaphore_mem>>
      tpu.enqueue_dma source(%arg4 : memref<128xf32, #tpu.memory_space<hbm>>) target(%arg10 : memref<128xf32, #tpu.memory_space<vmem>>) target_semaphore(%run_scoped3A : memref<!tpu.dma_semaphore, #tpu.memory_space<semaphore_mem>>)
      tpu.wait_dma2 semaphore(%run_scoped3A : memref<!tpu.dma_semaphore, #tpu.memory_space<semaphore_mem>>) src(%arg4 : memref<128xf32, #tpu.memory_space<hbm>>) dst(%arg10 : memref<128xf32, #tpu.memory_space<vmem>>)
      tpu.yield
    }) : () -> ()
    %get3A = arith.constant 0 : index
    %get3A_3 = tpu.vector_load %arg9[%get3A] {strides = array<i32>} : memref<128xf32, #tpu.memory_space<vmem>>, vector<16xf32>,
    %get3A_4 = arith.constant 16 : index
    %get3A_5 = tpu.vector_load %arg9[%get3A_4] {strides = array<i32>} : memref<128xf32, #tpu.memory_space<vmem>>, vector<16xf32>,
    %get3A_6 = arith.constant 32 : index
    %get3A_7 = tpu.vector_load %arg9[%get3A_6] {strides = array<i32>} : memref<128xf32, #tpu.memory_space<vmem>>, vector<16xf32>,
    %get3A_8 = arith.constant 48 : index
    %get3A_9 = tpu.vector_load %arg9[%get3A_8] {strides = array<i32>} : memref<128xf32, #tpu.memory_space<vmem>>, vector<16xf32>,
    %get3A_10 = arith.constant 64 : index
    %get3A_11 = tpu.vector_load %arg9[%get3A_10] {strides = array<i32>} : memref<128xf32, #tpu.memory_space<vmem>>, vector<16xf32>,
    %get3A_12 = arith.constant 80 : index
    %get3A_13 = tpu.vector_load %arg9[%get3A_12] {strides = array<i32>} : memref<128xf32, #tpu.memory_space<vmem>>, vector<16xf32>,
    %get3A_14 = arith.constant 96 : index
    %get3A_15 = tpu.vector_load %arg9[%get3A_14] {strides = array<i32>} : memref<128xf32, #tpu.memory_space<vmem>>, vector<16xf32>,
    %get3A_16 = arith.constant 112 : index
    %get3A_17 = tpu.vector_load %arg9[%get3A_16] {strides = array<i32>} : memref<128xf32, #tpu.memory_space<vmem>>, vector<16xf32>,
    %get3A_18 = arith.constant 0 : index
    %get3A_19 = tpu.vector_load %arg10[%get3A_18] {strides = array<i32>} : memref<128xf32, #tpu.memory_space<vmem>>, vector<16xf32>,
    %get3A_20 = arith.constant 16 : index
    %get3A_21 = tpu.vector_load %arg10[%get3A_20] {strides = array<i32>} : memref<128xf32, #tpu.memory_space<vmem>>, vector<16xf32>,
    %get3A_22 = arith.constant 32 : index
    %get3A_23 = tpu.vector_load %arg10[%get3A_22] {strides = array<i32>} : memref<128xf32, #tpu.memory_space<vmem>>, vector<16xf32>,
    %get3A_24 = arith.constant 48 : index
    %get3A_25 = tpu.vector_load %arg10[%get3A_24] {strides = array<i32>} : memref<128xf32, #tpu.memory_space<vmem>>, vector<16xf32>,
    %get3A_26 = arith.constant 64 : index
    %get3A_27 = tpu.vector_load %arg10[%get3A_26] {strides = array<i32>} : memref<128xf32, #tpu.memory_space<vmem>>, vector<16xf32>,
    %get3A_28 = arith.constant 80 : index
    %get3A_29 = tpu.vector_load %arg10[%get3A_28] {strides = array<i32>} : memref<128xf32, #tpu.memory_space<vmem>>, vector<16xf32>,
    %get3A_30 = arith.constant 96 : index
    %get3A_31 = tpu.vector_load %arg10[%get3A_30] {strides = array<i32>} : memref<128xf32, #tpu.memory_space<vmem>>, vector<16xf32>,
    %get3A_32 = arith.constant 112 : index
    %get3A_33 = tpu.vector_load %arg10[%get3A_32] {strides = array<i32>} : memref<128xf32, #tpu.memory_space<vmem>>, vector<16xf32>,
    %broadcast_in_dim3A = arith.constant 0.000000e+00 : f32
    %broadcast_in_dim3A_34 = vector.broadcast %broadcast_in_dim3A : f32 to vector<16xf32>
    %broadcast_in_dim3A_35 = arith.constant 0.000000e+00 : f32
    %broadcast_in_dim3A_36 = vector.broadcast %broadcast_in_dim3A_35 : f32 to vector<16xf32>
    %broadcast_in_dim3A_37 = arith.constant 0.000000e+00 : f32
    %broadcast_in_dim3A_38 = vector.broadcast %broadcast_in_dim3A_37 : f32 to vector<16xf32>
    %broadcast_in_dim3A_39 = arith.constant 0.000000e+00 : f32
    %broadcast_in_dim3A_40 = vector.broadcast %broadcast_in_dim3A_39 : f32 to vector<16xf32>
    %broadcast_in_dim3A_41 = arith.constant 0.000000e+00 : f32
    %broadcast_in_dim3A_42 = vector.broadcast %broadcast_in_dim3A_41 : f32 to vector<16xf32>
    %broadcast_in_dim3A_43 = arith.constant 0.000000e+00 : f32
    %broadcast_in_dim3A_44 = vector.broadcast %broadcast_in_dim3A_43 : f32 to vector<16xf32>
    %broadcast_in_dim3A_45 = arith.constant 0.000000e+00 : f32
    %broadcast_in_dim3A_46 = vector.broadcast %broadcast_in_dim3A_45 : f32 to vector<16xf32>
    %broadcast_in_dim3A_47 = arith.constant 0.000000e+00 : f32
    %broadcast_in_dim3A_48 = vector.broadcast %broadcast_in_dim3A_47 : f32 to vector<16xf32>
    %lt3A = arith.constant 31 : i32
    %lt3A_49 = arith.cmpi slt, %add3A, %lt3A : i32
    %convert_element_type3A = arith.extui %lt3A_49 : i1 to i32
    %cond3A = arith.constant 0 : i32
    %cond3A_50 = arith.cmpi ne, %convert_element_type3A, %cond3A : i32
    scf.if %cond3A_50 {
      %run_scoped3A = arith.constant 0 : i32
      "tpu.region"() ({
        %run_scoped3A_68 = tpu.sem_alloc : memref<!tpu.dma_semaphore, #tpu.memory_space<semaphore_mem>>
        %dma_start3A = arith.constant 0 : i32
        %dma_start3A_69 = tpu.memref_slice %arg2[%run_scoped3A, %mul3A_2, %dma_start3A] : memref<1x10000x128xf32, #tpu.memory_space<hbm>> -> memref<1x320x128xf32, #tpu.memory_space<hbm>>
        %dma_start3A_70 = tpu.memref_squeeze %dma_start3A_69 : memref<1x320x128xf32, #tpu.memory_space<hbm>> -> memref<320x128xf32, #tpu.memory_space<hbm>>
        %dma_start3A_71 = arith.constant 0 : i32
        %dma_start3A_72 = tpu.memref_slice %arg2[%run_scoped3A, %mul3A_2, %dma_start3A_71] : memref<1x10000x128xf32, #tpu.memory_space<hbm>> -> memref<1x320x128xf32, #tpu.memory_space<hbm>>
        %dma_start3A_73 = tpu.memref_squeeze %dma_start3A_72 : memref<1x320x128xf32, #tpu.memory_space<hbm>> -> memref<320x128xf32, #tpu.memory_space<hbm>>
        tpu.enqueue_dma source(%dma_start3A_73 : memref<320x128xf32, #tpu.memory_space<hbm>>) target(%arg7 : memref<320x128xf32, #tpu.memory_space<vmem>>) target_semaphore(%run_scoped3A_68 : memref<!tpu.dma_semaphore, #tpu.memory_space<semaphore_mem>>)
        %dma_wait3A = arith.constant 0 : i32
        %dma_wait3A_74 = tpu.memref_slice %arg2[%run_scoped3A, %mul3A_2, %dma_wait3A] : memref<1x10000x128xf32, #tpu.memory_space<hbm>> -> memref<1x320x128xf32, #tpu.memory_space<hbm>>
        %dma_wait3A_75 = tpu.memref_squeeze %dma_wait3A_74 : memref<1x320x128xf32, #tpu.memory_space<hbm>> -> memref<320x128xf32, #tpu.memory_space<hbm>>
        %dma_wait3A_76 = arith.constant 0 : i32
        %dma_wait3A_77 = tpu.memref_slice %arg2[%run_scoped3A, %mul3A_2, %dma_wait3A_76] : memref<1x10000x128xf32, #tpu.memory_space<hbm>> -> memref<1x320x128xf32, #tpu.memory_space<hbm>>
        %dma_wait3A_78 = tpu.memref_squeeze %dma_wait3A_77 : memref<1x320x128xf32, #tpu.memory_space<hbm>> -> memref<320x128xf32, #tpu.memory_space<hbm>>
        tpu.wait_dma2 semaphore(%run_scoped3A_68 : memref<!tpu.dma_semaphore, #tpu.memory_space<semaphore_mem>>) src(%dma_wait3A_78 : memref<320x128xf32, #tpu.memory_space<hbm>>) dst(%arg7 : memref<320x128xf32, #tpu.memory_space<vmem>>)
        tpu.yield
      }) : () -> ()
      %scan3A = arith.constant 0 : i32
      %scan3A_55 = arith.constant 320 : i32
      %scan3A_56 = arith.addi %scan3A, %scan3A_55 : i32
      %scan3A_57 = arith.constant 1 : i32
      %scan3A_58:8 = scf.for %scan3A_68 = %scan3A to %scan3A_56 step %scan3A_57 iter_args(%scan3A_69 = %broadcast_in_dim3A_34, %scan3A_70 = %broadcast_in_dim3A_36, %scan3A_71 = %broadcast_in_dim3A_38, %scan3A_72 = %broadcast_in_dim3A_40, %scan3A_73 = %broadcast_in_dim3A_42, %scan3A_74 = %broadcast_in_dim3A_44, %scan3A_75 = %broadcast_in_dim3A_46, %scan3A_76 = %broadcast_in_dim3A_48) -> (vector<16xf32>, vector<16xf32>, vector<16xf32>, vector<16xf32>, vector<16xf32>, vector<16xf32>, vector<16xf32>, vector<16xf32>)  : i32 {
        %get3A_77 = arith.index_cast %scan3A_68 : i32 to index
        %get3A_78 = arith.constant 0 : index
        %get3A_79 = tpu.vector_load %arg7[%get3A_77, %get3A_78] {strides = array<i32>} : memref<320x128xf32, #tpu.memory_space<vmem>>, vector<16xf32>,
        %get3A_80 = arith.index_cast %scan3A_68 : i32 to index
        %get3A_81 = arith.constant 16 : index
        %get3A_82 = tpu.vector_load %arg7[%get3A_80, %get3A_81] {strides = array<i32>} : memref<320x128xf32, #tpu.memory_space<vmem>>, vector<16xf32>,
        %mul3A_83 = arith.mulf %get3A_79, %get3A_19 : vector<16xf32>
        %add3A_84 = arith.addf %scan3A_69, %mul3A_83 : vector<16xf32>
        %mul3A_85 = arith.mulf %get3A_82, %get3A_21 : vector<16xf32>
        %add3A_86 = arith.addf %scan3A_70, %mul3A_85 : vector<16xf32>
        %mul3A_87 = arith.mulf %get3A_79, %get3A_3 : vector<16xf32>
        %mul3A_88 = arith.mulf %get3A_82, %get3A_5 : vector<16xf32>
        %pack3A = tpu.pack_subelements %mul3A_87, %mul3A_88 {pack_format = #tpu.pack_format<interleaved>, positions = array<i32: 0, 1>} : vector<16xf32>, vector<16xf32> -> vector<32xbf16>
        %bitcast3A = vector.bitcast %pack3A : vector<32xbf16> to vector<16xi32>
        %swap3A_89 = arith.index_cast %scan3A_68 : i32 to index
        %swap3A_90 = arith.constant 0 : index
        %swap3A_91 = tpu.vector_load %arg8[%swap3A_89, %swap3A_90] {strides = array<i32>} : memref<320x64xi32, #tpu.memory_space<vmem>>, vector<16xi32>,
        tpu.vector_store %arg8[%swap3A_89, %swap3A_90], %bitcast3A {strides = array<i32>} : memref<320x64xi32, #tpu.memory_space<vmem>>, vector<16xi32>,
        %get3A_92 = arith.index_cast %scan3A_68 : i32 to index
        %get3A_93 = arith.constant 32 : index
        %get3A_94 = tpu.vector_load %arg7[%get3A_92, %get3A_93] {strides = array<i32>} : memref<320x128xf32, #tpu.memory_space<vmem>>, vector<16xf32>,
        %get3A_95 = arith.index_cast %scan3A_68 : i32 to index
        %get3A_96 = arith.constant 48 : index
        %get3A_97 = tpu.vector_load %arg7[%get3A_95, %get3A_96] {strides = array<i32>} : memref<320x128xf32, #tpu.memory_space<vmem>>, vector<16xf32>,
        %mul3A_98 = arith.mulf %get3A_94, %get3A_23 : vector<16xf32>
        %add3A_99 = arith.addf %scan3A_71, %mul3A_98 : vector<16xf32>
        %mul3A_100 = arith.mulf %get3A_97, %get3A_25 : vector<16xf32>
        %add3A_101 = arith.addf %scan3A_72, %mul3A_100 : vector<16xf32>
        %mul3A_102 = arith.mulf %get3A_94, %get3A_7 : vector<16xf32>
        %mul3A_103 = arith.mulf %get3A_97, %get3A_9 : vector<16xf32>
        %pack3A_104 = tpu.pack_subelements %mul3A_102, %mul3A_103 {pack_format = #tpu.pack_format<interleaved>, positions = array<i32: 0, 1>} : vector<16xf32>, vector<16xf32> -> vector<32xbf16>
        %bitcast3A_105 = vector.bitcast %pack3A_104 : vector<32xbf16> to vector<16xi32>
        %swap3A_106 = arith.index_cast %scan3A_68 : i32 to index
        %swap3A_107 = arith.constant 16 : index
        %swap3A_108 = tpu.vector_load %arg8[%swap3A_106, %swap3A_107] {strides = array<i32>} : memref<320x64xi32, #tpu.memory_space<vmem>>, vector<16xi32>,
        tpu.vector_store %arg8[%swap3A_106, %swap3A_107], %bitcast3A_105 {strides = array<i32>} : memref<320x64xi32, #tpu.memory_space<vmem>>, vector<16xi32>,
        %get3A_109 = arith.index_cast %scan3A_68 : i32 to index
        %get3A_110 = arith.constant 64 : index
        %get3A_111 = tpu.vector_load %arg7[%get3A_109, %get3A_110] {strides = array<i32>} : memref<320x128xf32, #tpu.memory_space<vmem>>, vector<16xf32>,
        %get3A_112 = arith.index_cast %scan3A_68 : i32 to index
        %get3A_113 = arith.constant 80 : index
        %get3A_114 = tpu.vector_load %arg7[%get3A_112, %get3A_113] {strides = array<i32>} : memref<320x128xf32, #tpu.memory_space<vmem>>, vector<16xf32>,
        %mul3A_115 = arith.mulf %get3A_111, %get3A_27 : vector<16xf32>
        %add3A_116 = arith.addf %scan3A_73, %mul3A_115 : vector<16xf32>
        %mul3A_117 = arith.mulf %get3A_114, %get3A_29 : vector<16xf32>
        %add3A_118 = arith.addf %scan3A_74, %mul3A_117 : vector<16xf32>
        %mul3A_119 = arith.mulf %get3A_111, %get3A_11 : vector<16xf32>
        %mul3A_120 = arith.mulf %get3A_114, %get3A_13 : vector<16xf32>
        %pack3A_121 = tpu.pack_subelements %mul3A_119, %mul3A_120 {pack_format = #tpu.pack_format<interleaved>, positions = array<i32: 0, 1>} : vector<16xf32>, vector<16xf32> -> vector<32xbf16>
        %bitcast3A_122 = vector.bitcast %pack3A_121 : vector<32xbf16> to vector<16xi32>
        %swap3A_123 = arith.index_cast %scan3A_68 : i32 to index
        %swap3A_124 = arith.constant 32 : index
        %swap3A_125 = tpu.vector_load %arg8[%swap3A_123, %swap3A_124] {strides = array<i32>} : memref<320x64xi32, #tpu.memory_space<vmem>>, vector<16xi32>,
        tpu.vector_store %arg8[%swap3A_123, %swap3A_124], %bitcast3A_122 {strides = array<i32>} : memref<320x64xi32, #tpu.memory_space<vmem>>, vector<16xi32>,
        %get3A_126 = arith.index_cast %scan3A_68 : i32 to index
        %get3A_127 = arith.constant 96 : index
        %get3A_128 = tpu.vector_load %arg7[%get3A_126, %get3A_127] {strides = array<i32>} : memref<320x128xf32, #tpu.memory_space<vmem>>, vector<16xf32>,
        %get3A_129 = arith.index_cast %scan3A_68 : i32 to index
        %get3A_130 = arith.constant 112 : index
        %get3A_131 = tpu.vector_load %arg7[%get3A_129, %get3A_130] {strides = array<i32>} : memref<320x128xf32, #tpu.memory_space<vmem>>, vector<16xf32>,
        %mul3A_132 = arith.mulf %get3A_128, %get3A_31 : vector<16xf32>
        %add3A_133 = arith.addf %scan3A_75, %mul3A_132 : vector<16xf32>
        %mul3A_134 = arith.mulf %get3A_131, %get3A_33 : vector<16xf32>
        %add3A_135 = arith.addf %scan3A_76, %mul3A_134 : vector<16xf32>
        %mul3A_136 = arith.mulf %get3A_128, %get3A_15 : vector<16xf32>
        %mul3A_137 = arith.mulf %get3A_131, %get3A_17 : vector<16xf32>
        %pack3A_138 = tpu.pack_subelements %mul3A_136, %mul3A_137 {pack_format = #tpu.pack_format<interleaved>, positions = array<i32: 0, 1>} : vector<16xf32>, vector<16xf32> -> vector<32xbf16>
        %bitcast3A_139 = vector.bitcast %pack3A_138 : vector<32xbf16> to vector<16xi32>
        %swap3A_140 = arith.index_cast %scan3A_68 : i32 to index
        %swap3A_141 = arith.constant 48 : index
        %swap3A_142 = tpu.vector_load %arg8[%swap3A_140, %swap3A_141] {strides = array<i32>} : memref<320x64xi32, #tpu.memory_space<vmem>>, vector<16xi32>,
        tpu.vector_store %arg8[%swap3A_140, %swap3A_141], %bitcast3A_139 {strides = array<i32>} : memref<320x64xi32, #tpu.memory_space<vmem>>, vector<16xi32>,
        scf.yield %add3A_84, %add3A_86, %add3A_99, %add3A_101, %add3A_116, %add3A_118, %add3A_133, %add3A_135 : vector<16xf32>, vector<16xf32>, vector<16xf32>, vector<16xf32>, vector<16xf32>, vector<16xf32>, vector<16xf32>, vector<16xf32>
      }
      %scan3A_59 = arith.constant 320 : i32
      "tpu.region"() ({
        %run_scoped3A_68 = tpu.sem_alloc : memref<!tpu.dma_semaphore, #tpu.memory_space<semaphore_mem>>
        %dma_start3A = arith.constant 0 : i32
        %dma_start3A_69 = tpu.memref_slice %arg5[%mul3A_2, %dma_start3A] : memref<10000x64xi32, #tpu.memory_space<hbm>> -> memref<320x64xi32, #tpu.memory_space<hbm>>
        %dma_start3A_70 = arith.constant 0 : i32
        %dma_start3A_71 = tpu.memref_slice %arg5[%mul3A_2, %dma_start3A_70] : memref<10000x64xi32, #tpu.memory_space<hbm>> -> memref<320x64xi32, #tpu.memory_space<hbm>>
        tpu.enqueue_dma source(%arg8 : memref<320x64xi32, #tpu.memory_space<vmem>>) target(%dma_start3A_71 : memref<320x64xi32, #tpu.memory_space<hbm>>) target_semaphore(%run_scoped3A_68 : memref<!tpu.dma_semaphore, #tpu.memory_space<semaphore_mem>>)
        %dma_wait3A = arith.constant 0 : i32
        %dma_wait3A_72 = tpu.memref_slice %arg5[%mul3A_2, %dma_wait3A] : memref<10000x64xi32, #tpu.memory_space<hbm>> -> memref<320x64xi32, #tpu.memory_space<hbm>>
        %dma_wait3A_73 = arith.constant 0 : i32
        %dma_wait3A_74 = tpu.memref_slice %arg5[%mul3A_2, %dma_wait3A_73] : memref<10000x64xi32, #tpu.memory_space<hbm>> -> memref<320x64xi32, #tpu.memory_space<hbm>>
        tpu.wait_dma2 semaphore(%run_scoped3A_68 : memref<!tpu.dma_semaphore, #tpu.memory_space<semaphore_mem>>) src(%arg8 : memref<320x64xi32, #tpu.memory_space<vmem>>) dst(%dma_wait3A_74 : memref<320x64xi32, #tpu.memory_space<hbm>>)
        tpu.yield
      }) : () -> ()
      %add3A_60 = arith.addf %scan3A_58#0, %scan3A_58#1 : vector<16xf32>
      %add3A_61 = arith.addf %add3A_60, %scan3A_58#2 : vector<16xf32>
      %add3A_62 = arith.addf %add3A_61, %scan3A_58#3 : vector<16xf32>
      %add3A_63 = arith.addf %add3A_62, %scan3A_58#4 : vector<16xf32>
      %add3A_64 = arith.addf %add3A_63, %scan3A_58#5 : vector<16xf32>
      %add3A_65 = arith.addf %add3A_64, %scan3A_58#6 : vector<16xf32>
      %add3A_66 = arith.addf %add3A_65, %scan3A_58#7 : vector<16xf32>
      %swap3A = arith.constant 0 : index
      %swap3A_67 = tpu.vector_load %arg11[%swap3A] {strides = array<i32>} : memref<16xf32, #tpu.memory_space<vmem>>, vector<16xf32>,
      tpu.vector_store %arg11[%swap3A], %add3A_66 {strides = array<i32>} : memref<16xf32, #tpu.memory_space<vmem>>, vector<16xf32>,
      "tpu.region"() ({
        %run_scoped3A_68 = tpu.sem_alloc : memref<!tpu.dma_semaphore, #tpu.memory_space<semaphore_mem>>
        %dma_start3A = arith.constant 0 : i32
        %dma_start3A_69 = tpu.memref_slice %arg6[%add3A, %dma_start3A] : memref<32x16xf32, #tpu.memory_space<hbm>> -> memref<1x16xf32, #tpu.memory_space<hbm>>
        %dma_start3A_70 = tpu.memref_squeeze %dma_start3A_69 : memref<1x16xf32, #tpu.memory_space<hbm>> -> memref<16xf32, #tpu.memory_space<hbm>>
        %dma_start3A_71 = arith.constant 0 : i32
        %dma_start3A_72 = tpu.memref_slice %arg6[%add3A, %dma_start3A_71] : memref<32x16xf32, #tpu.memory_space<hbm>> -> memref<1x16xf32, #tpu.memory_space<hbm>>
        %dma_start3A_73 = tpu.memref_squeeze %dma_start3A_72 : memref<1x16xf32, #tpu.memory_space<hbm>> -> memref<16xf32, #tpu.memory_space<hbm>>
        tpu.enqueue_dma source(%arg11 : memref<16xf32, #tpu.memory_space<vmem>>) target(%dma_start3A_73 : memref<16xf32, #tpu.memory_space<hbm>>) target_semaphore(%run_scoped3A_68 : memref<!tpu.dma_semaphore, #tpu.memory_space<semaphore_mem>>)
        %dma_wait3A = arith.constant 0 : i32
        %dma_wait3A_74 = tpu.memref_slice %arg6[%add3A, %dma_wait3A] : memref<32x16xf32, #tpu.memory_space<hbm>> -> memref<1x16xf32, #tpu.memory_space<hbm>>
        %dma_wait3A_75 = tpu.memref_squeeze %dma_wait3A_74 : memref<1x16xf32, #tpu.memory_space<hbm>> -> memref<16xf32, #tpu.memory_space<hbm>>
        %dma_wait3A_76 = arith.constant 0 : i32
        %dma_wait3A_77 = tpu.memref_slice %arg6[%add3A, %dma_wait3A_76] : memref<32x16xf32, #tpu.memory_space<hbm>> -> memref<1x16xf32, #tpu.memory_space<hbm>>
        %dma_wait3A_78 = tpu.memref_squeeze %dma_wait3A_77 : memref<1x16xf32, #tpu.memory_space<hbm>> -> memref<16xf32, #tpu.memory_space<hbm>>
        tpu.wait_dma2 semaphore(%run_scoped3A_68 : memref<!tpu.dma_semaphore, #tpu.memory_space<semaphore_mem>>) src(%arg11 : memref<16xf32, #tpu.memory_space<vmem>>) dst(%dma_wait3A_78 : memref<16xf32, #tpu.memory_space<hbm>>)
        tpu.yield
      }) : () -> ()
    } else {
    }
    %eq3A = arith.constant 31 : i32
    %eq3A_51 = arith.cmpi eq, %add3A, %eq3A : i32
    %convert_element_type3A_52 = arith.extui %eq3A_51 : i1 to i32
    %cond3A_53 = arith.constant 0 : i32
    %cond3A_54 = arith.cmpi ne, %convert_element_type3A_52, %cond3A_53 : i32
    scf.if %cond3A_54 {
      %run_scoped3A = arith.constant 0 : i32
      "tpu.region"() ({
        %run_scoped3A_68 = tpu.sem_alloc : memref<!tpu.dma_semaphore, #tpu.memory_space<semaphore_mem>>
        %dma_start3A = arith.constant 0 : i32
        %dma_start3A_69 = arith.constant 0 : i32
        %dma_start3A_70 = tpu.memref_slice %arg7[%dma_start3A, %dma_start3A_69] : memref<320x128xf32, #tpu.memory_space<vmem>> -> memref<80x128xf32, #tpu.memory_space<vmem>>
        %dma_start3A_71 = arith.constant 0 : i32
        %dma_start3A_72 = tpu.memref_slice %arg2[%run_scoped3A, %mul3A_2, %dma_start3A_71] : memref<1x10000x128xf32, #tpu.memory_space<hbm>> -> memref<1x80x128xf32, #tpu.memory_space<hbm>>
        %dma_start3A_73 = tpu.memref_squeeze %dma_start3A_72 : memref<1x80x128xf32, #tpu.memory_space<hbm>> -> memref<80x128xf32, #tpu.memory_space<hbm>>
        %dma_start3A_74 = arith.constant 0 : i32
        %dma_start3A_75 = arith.constant 0 : i32
        %dma_start3A_76 = tpu.memref_slice %arg7[%dma_start3A_74, %dma_start3A_75] : memref<320x128xf32, #tpu.memory_space<vmem>> -> memref<80x128xf32, #tpu.memory_space<vmem>>
        %dma_start3A_77 = arith.constant 0 : i32
        %dma_start3A_78 = tpu.memref_slice %arg2[%run_scoped3A, %mul3A_2, %dma_start3A_77] : memref<1x10000x128xf32, #tpu.memory_space<hbm>> -> memref<1x80x128xf32, #tpu.memory_space<hbm>>
        %dma_start3A_79 = tpu.memref_squeeze %dma_start3A_78 : memref<1x80x128xf32, #tpu.memory_space<hbm>> -> memref<80x128xf32, #tpu.memory_space<hbm>>
        tpu.enqueue_dma source(%dma_start3A_79 : memref<80x128xf32, #tpu.memory_space<hbm>>) target(%dma_start3A_76 : memref<80x128xf32, #tpu.memory_space<vmem>>) target_semaphore(%run_scoped3A_68 : memref<!tpu.dma_semaphore, #tpu.memory_space<semaphore_mem>>)
        %dma_wait3A = arith.constant 0 : i32
        %dma_wait3A_80 = arith.constant 0 : i32
        %dma_wait3A_81 = tpu.memref_slice %arg7[%dma_wait3A, %dma_wait3A_80] : memref<320x128xf32, #tpu.memory_space<vmem>> -> memref<80x128xf32, #tpu.memory_space<vmem>>
        %dma_wait3A_82 = arith.constant 0 : i32
        %dma_wait3A_83 = tpu.memref_slice %arg2[%run_scoped3A, %mul3A_2, %dma_wait3A_82] : memref<1x10000x128xf32, #tpu.memory_space<hbm>> -> memref<1x80x128xf32, #tpu.memory_space<hbm>>
        %dma_wait3A_84 = tpu.memref_squeeze %dma_wait3A_83 : memref<1x80x128xf32, #tpu.memory_space<hbm>> -> memref<80x128xf32, #tpu.memory_space<hbm>>
        %dma_wait3A_85 = arith.constant 0 : i32
        %dma_wait3A_86 = arith.constant 0 : i32
        %dma_wait3A_87 = tpu.memref_slice %arg7[%dma_wait3A_85, %dma_wait3A_86] : memref<320x128xf32, #tpu.memory_space<vmem>> -> memref<80x128xf32, #tpu.memory_space<vmem>>
        %dma_wait3A_88 = arith.constant 0 : i32
        %dma_wait3A_89 = tpu.memref_slice %arg2[%run_scoped3A, %mul3A_2, %dma_wait3A_88] : memref<1x10000x128xf32, #tpu.memory_space<hbm>> -> memref<1x80x128xf32, #tpu.memory_space<hbm>>
        %dma_wait3A_90 = tpu.memref_squeeze %dma_wait3A_89 : memref<1x80x128xf32, #tpu.memory_space<hbm>> -> memref<80x128xf32, #tpu.memory_space<hbm>>
        tpu.wait_dma2 semaphore(%run_scoped3A_68 : memref<!tpu.dma_semaphore, #tpu.memory_space<semaphore_mem>>) src(%dma_wait3A_90 : memref<80x128xf32, #tpu.memory_space<hbm>>) dst(%dma_wait3A_87 : memref<80x128xf32, #tpu.memory_space<vmem>>)
        tpu.yield
      }) : () -> ()
      %scan3A = arith.constant 0 : i32
      %scan3A_55 = arith.constant 80 : i32
      %scan3A_56 = arith.addi %scan3A, %scan3A_55 : i32
      %scan3A_57 = arith.constant 1 : i32
      %scan3A_58:8 = scf.for %scan3A_68 = %scan3A to %scan3A_56 step %scan3A_57 iter_args(%scan3A_69 = %broadcast_in_dim3A_34, %scan3A_70 = %broadcast_in_dim3A_36, %scan3A_71 = %broadcast_in_dim3A_38, %scan3A_72 = %broadcast_in_dim3A_40, %scan3A_73 = %broadcast_in_dim3A_42, %scan3A_74 = %broadcast_in_dim3A_44, %scan3A_75 = %broadcast_in_dim3A_46, %scan3A_76 = %broadcast_in_dim3A_48) -> (vector<16xf32>, vector<16xf32>, vector<16xf32>, vector<16xf32>, vector<16xf32>, vector<16xf32>, vector<16xf32>, vector<16xf32>)  : i32 {
        %get3A_77 = arith.index_cast %scan3A_68 : i32 to index
        %get3A_78 = arith.constant 0 : index
        %get3A_79 = tpu.vector_load %arg7[%get3A_77, %get3A_78] {strides = array<i32>} : memref<320x128xf32, #tpu.memory_space<vmem>>, vector<16xf32>,
        %get3A_80 = arith.index_cast %scan3A_68 : i32 to index
        %get3A_81 = arith.constant 16 : index
        %get3A_82 = tpu.vector_load %arg7[%get3A_80, %get3A_81] {strides = array<i32>} : memref<320x128xf32, #tpu.memory_space<vmem>>, vector<16xf32>,
        %mul3A_83 = arith.mulf %get3A_79, %get3A_19 : vector<16xf32>
        %add3A_84 = arith.addf %scan3A_69, %mul3A_83 : vector<16xf32>
        %mul3A_85 = arith.mulf %get3A_82, %get3A_21 : vector<16xf32>
        %add3A_86 = arith.addf %scan3A_70, %mul3A_85 : vector<16xf32>
        %mul3A_87 = arith.mulf %get3A_79, %get3A_3 : vector<16xf32>
        %mul3A_88 = arith.mulf %get3A_82, %get3A_5 : vector<16xf32>
        %pack3A = tpu.pack_subelements %mul3A_87, %mul3A_88 {pack_format = #tpu.pack_format<interleaved>, positions = array<i32: 0, 1>} : vector<16xf32>, vector<16xf32> -> vector<32xbf16>
        %bitcast3A = vector.bitcast %pack3A : vector<32xbf16> to vector<16xi32>
        %swap3A_89 = arith.index_cast %scan3A_68 : i32 to index
        %swap3A_90 = arith.constant 0 : index
        %swap3A_91 = tpu.vector_load %arg8[%swap3A_89, %swap3A_90] {strides = array<i32>} : memref<320x64xi32, #tpu.memory_space<vmem>>, vector<16xi32>,
        tpu.vector_store %arg8[%swap3A_89, %swap3A_90], %bitcast3A {strides = array<i32>} : memref<320x64xi32, #tpu.memory_space<vmem>>, vector<16xi32>,
        %get3A_92 = arith.index_cast %scan3A_68 : i32 to index
        %get3A_93 = arith.constant 32 : index
        %get3A_94 = tpu.vector_load %arg7[%get3A_92, %get3A_93] {strides = array<i32>} : memref<320x128xf32, #tpu.memory_space<vmem>>, vector<16xf32>,
        %get3A_95 = arith.index_cast %scan3A_68 : i32 to index
        %get3A_96 = arith.constant 48 : index
        %get3A_97 = tpu.vector_load %arg7[%get3A_95, %get3A_96] {strides = array<i32>} : memref<320x128xf32, #tpu.memory_space<vmem>>, vector<16xf32>,
        %mul3A_98 = arith.mulf %get3A_94, %get3A_23 : vector<16xf32>
        %add3A_99 = arith.addf %scan3A_71, %mul3A_98 : vector<16xf32>
        %mul3A_100 = arith.mulf %get3A_97, %get3A_25 : vector<16xf32>
        %add3A_101 = arith.addf %scan3A_72, %mul3A_100 : vector<16xf32>
        %mul3A_102 = arith.mulf %get3A_94, %get3A_7 : vector<16xf32>
        %mul3A_103 = arith.mulf %get3A_97, %get3A_9 : vector<16xf32>
        %pack3A_104 = tpu.pack_subelements %mul3A_102, %mul3A_103 {pack_format = #tpu.pack_format<interleaved>, positions = array<i32: 0, 1>} : vector<16xf32>, vector<16xf32> -> vector<32xbf16>
        %bitcast3A_105 = vector.bitcast %pack3A_104 : vector<32xbf16> to vector<16xi32>
        %swap3A_106 = arith.index_cast %scan3A_68 : i32 to index
        %swap3A_107 = arith.constant 16 : index
        %swap3A_108 = tpu.vector_load %arg8[%swap3A_106, %swap3A_107] {strides = array<i32>} : memref<320x64xi32, #tpu.memory_space<vmem>>, vector<16xi32>,
        tpu.vector_store %arg8[%swap3A_106, %swap3A_107], %bitcast3A_105 {strides = array<i32>} : memref<320x64xi32, #tpu.memory_space<vmem>>, vector<16xi32>,
        %get3A_109 = arith.index_cast %scan3A_68 : i32 to index
        %get3A_110 = arith.constant 64 : index
        %get3A_111 = tpu.vector_load %arg7[%get3A_109, %get3A_110] {strides = array<i32>} : memref<320x128xf32, #tpu.memory_space<vmem>>, vector<16xf32>,
        %get3A_112 = arith.index_cast %scan3A_68 : i32 to index
        %get3A_113 = arith.constant 80 : index
        %get3A_114 = tpu.vector_load %arg7[%get3A_112, %get3A_113] {strides = array<i32>} : memref<320x128xf32, #tpu.memory_space<vmem>>, vector<16xf32>,
        %mul3A_115 = arith.mulf %get3A_111, %get3A_27 : vector<16xf32>
        %add3A_116 = arith.addf %scan3A_73, %mul3A_115 : vector<16xf32>
        %mul3A_117 = arith.mulf %get3A_114, %get3A_29 : vector<16xf32>
        %add3A_118 = arith.addf %scan3A_74, %mul3A_117 : vector<16xf32>
        %mul3A_119 = arith.mulf %get3A_111, %get3A_11 : vector<16xf32>
        %mul3A_120 = arith.mulf %get3A_114, %get3A_13 : vector<16xf32>
        %pack3A_121 = tpu.pack_subelements %mul3A_119, %mul3A_120 {pack_format = #tpu.pack_format<interleaved>, positions = array<i32: 0, 1>} : vector<16xf32>, vector<16xf32> -> vector<32xbf16>
        %bitcast3A_122 = vector.bitcast %pack3A_121 : vector<32xbf16> to vector<16xi32>
        %swap3A_123 = arith.index_cast %scan3A_68 : i32 to index
        %swap3A_124 = arith.constant 32 : index
        %swap3A_125 = tpu.vector_load %arg8[%swap3A_123, %swap3A_124] {strides = array<i32>} : memref<320x64xi32, #tpu.memory_space<vmem>>, vector<16xi32>,
        tpu.vector_store %arg8[%swap3A_123, %swap3A_124], %bitcast3A_122 {strides = array<i32>} : memref<320x64xi32, #tpu.memory_space<vmem>>, vector<16xi32>,
        %get3A_126 = arith.index_cast %scan3A_68 : i32 to index
        %get3A_127 = arith.constant 96 : index
        %get3A_128 = tpu.vector_load %arg7[%get3A_126, %get3A_127] {strides = array<i32>} : memref<320x128xf32, #tpu.memory_space<vmem>>, vector<16xf32>,
        %get3A_129 = arith.index_cast %scan3A_68 : i32 to index
        %get3A_130 = arith.constant 112 : index
        %get3A_131 = tpu.vector_load %arg7[%get3A_129, %get3A_130] {strides = array<i32>} : memref<320x128xf32, #tpu.memory_space<vmem>>, vector<16xf32>,
        %mul3A_132 = arith.mulf %get3A_128, %get3A_31 : vector<16xf32>
        %add3A_133 = arith.addf %scan3A_75, %mul3A_132 : vector<16xf32>
        %mul3A_134 = arith.mulf %get3A_131, %get3A_33 : vector<16xf32>
        %add3A_135 = arith.addf %scan3A_76, %mul3A_134 : vector<16xf32>
        %mul3A_136 = arith.mulf %get3A_128, %get3A_15 : vector<16xf32>
        %mul3A_137 = arith.mulf %get3A_131, %get3A_17 : vector<16xf32>
        %pack3A_138 = tpu.pack_subelements %mul3A_136, %mul3A_137 {pack_format = #tpu.pack_format<interleaved>, positions = array<i32: 0, 1>} : vector<16xf32>, vector<16xf32> -> vector<32xbf16>
        %bitcast3A_139 = vector.bitcast %pack3A_138 : vector<32xbf16> to vector<16xi32>
        %swap3A_140 = arith.index_cast %scan3A_68 : i32 to index
        %swap3A_141 = arith.constant 48 : index
        %swap3A_142 = tpu.vector_load %arg8[%swap3A_140, %swap3A_141] {strides = array<i32>} : memref<320x64xi32, #tpu.memory_space<vmem>>, vector<16xi32>,
        tpu.vector_store %arg8[%swap3A_140, %swap3A_141], %bitcast3A_139 {strides = array<i32>} : memref<320x64xi32, #tpu.memory_space<vmem>>, vector<16xi32>,
        scf.yield %add3A_84, %add3A_86, %add3A_99, %add3A_101, %add3A_116, %add3A_118, %add3A_133, %add3A_135 : vector<16xf32>, vector<16xf32>, vector<16xf32>, vector<16xf32>, vector<16xf32>, vector<16xf32>, vector<16xf32>, vector<16xf32>
      }
      %scan3A_59 = arith.constant 80 : i32
      "tpu.region"() ({
        %run_scoped3A_68 = tpu.sem_alloc : memref<!tpu.dma_semaphore, #tpu.memory_space<semaphore_mem>>
        %dma_start3A = arith.constant 0 : i32
        %dma_start3A_69 = arith.constant 0 : i32
        %dma_start3A_70 = tpu.memref_slice %arg8[%dma_start3A, %dma_start3A_69] : memref<320x64xi32, #tpu.memory_space<vmem>> -> memref<80x64xi32, #tpu.memory_space<vmem>>
        %dma_start3A_71 = arith.constant 0 : i32
        %dma_start3A_72 = tpu.memref_slice %arg5[%mul3A_2, %dma_start3A_71] : memref<10000x64xi32, #tpu.memory_space<hbm>> -> memref<80x64xi32, #tpu.memory_space<hbm>>
        %dma_start3A_73 = arith.constant 0 : i32
        %dma_start3A_74 = tpu.memref_slice %arg5[%mul3A_2, %dma_start3A_73] : memref<10000x64xi32, #tpu.memory_space<hbm>> -> memref<80x64xi32, #tpu.memory_space<hbm>>
        %dma_start3A_75 = arith.constant 0 : i32
        %dma_start3A_76 = arith.constant 0 : i32
        %dma_start3A_77 = tpu.memref_slice %arg8[%dma_start3A_75, %dma_start3A_76] : memref<320x64xi32, #tpu.memory_space<vmem>> -> memref<80x64xi32, #tpu.memory_space<vmem>>
        tpu.enqueue_dma source(%dma_start3A_77 : memref<80x64xi32, #tpu.memory_space<vmem>>) target(%dma_start3A_74 : memref<80x64xi32, #tpu.memory_space<hbm>>) target_semaphore(%run_scoped3A_68 : memref<!tpu.dma_semaphore, #tpu.memory_space<semaphore_mem>>)
        %dma_wait3A = arith.constant 0 : i32
        %dma_wait3A_78 = arith.constant 0 : i32
        %dma_wait3A_79 = tpu.memref_slice %arg8[%dma_wait3A, %dma_wait3A_78] : memref<320x64xi32, #tpu.memory_space<vmem>> -> memref<80x64xi32, #tpu.memory_space<vmem>>
        %dma_wait3A_80 = arith.constant 0 : i32
        %dma_wait3A_81 = tpu.memref_slice %arg5[%mul3A_2, %dma_wait3A_80] : memref<10000x64xi32, #tpu.memory_space<hbm>> -> memref<80x64xi32, #tpu.memory_space<hbm>>
        %dma_wait3A_82 = arith.constant 0 : i32
        %dma_wait3A_83 = tpu.memref_slice %arg5[%mul3A_2, %dma_wait3A_82] : memref<10000x64xi32, #tpu.memory_space<hbm>> -> memref<80x64xi32, #tpu.memory_space<hbm>>
        %dma_wait3A_84 = arith.constant 0 : i32
        %dma_wait3A_85 = arith.constant 0 : i32
        %dma_wait3A_86 = tpu.memref_slice %arg8[%dma_wait3A_84, %dma_wait3A_85] : memref<320x64xi32, #tpu.memory_space<vmem>> -> memref<80x64xi32, #tpu.memory_space<vmem>>
        tpu.wait_dma2 semaphore(%run_scoped3A_68 : memref<!tpu.dma_semaphore, #tpu.memory_space<semaphore_mem>>) src(%dma_wait3A_86 : memref<80x64xi32, #tpu.memory_space<vmem>>) dst(%dma_wait3A_83 : memref<80x64xi32, #tpu.memory_space<hbm>>)
        tpu.yield
      }) : () -> ()
      %add3A_60 = arith.addf %scan3A_58#0, %scan3A_58#1 : vector<16xf32>
      %add3A_61 = arith.addf %add3A_60, %scan3A_58#2 : vector<16xf32>
      %add3A_62 = arith.addf %add3A_61, %scan3A_58#3 : vector<16xf32>
      %add3A_63 = arith.addf %add3A_62, %scan3A_58#4 : vector<16xf32>
      %add3A_64 = arith.addf %add3A_63, %scan3A_58#5 : vector<16xf32>
      %add3A_65 = arith.addf %add3A_64, %scan3A_58#6 : vector<16xf32>
      %add3A_66 = arith.addf %add3A_65, %scan3A_58#7 : vector<16xf32>
      %swap3A = arith.constant 0 : index
      %swap3A_67 = tpu.vector_load %arg11[%swap3A] {strides = array<i32>} : memref<16xf32, #tpu.memory_space<vmem>>, vector<16xf32>,
      tpu.vector_store %arg11[%swap3A], %add3A_66 {strides = array<i32>} : memref<16xf32, #tpu.memory_space<vmem>>, vector<16xf32>,
      "tpu.region"() ({
        %run_scoped3A_68 = tpu.sem_alloc : memref<!tpu.dma_semaphore, #tpu.memory_space<semaphore_mem>>
        %dma_start3A = arith.constant 0 : i32
        %dma_start3A_69 = tpu.memref_slice %arg6[%add3A, %dma_start3A] : memref<32x16xf32, #tpu.memory_space<hbm>> -> memref<1x16xf32, #tpu.memory_space<hbm>>
        %dma_start3A_70 = tpu.memref_squeeze %dma_start3A_69 : memref<1x16xf32, #tpu.memory_space<hbm>> -> memref<16xf32, #tpu.memory_space<hbm>>
        %dma_start3A_71 = arith.constant 0 : i32
        %dma_start3A_72 = tpu.memref_slice %arg6[%add3A, %dma_start3A_71] : memref<32x16xf32, #tpu.memory_space<hbm>> -> memref<1x16xf32, #tpu.memory_space<hbm>>
        %dma_start3A_73 = tpu.memref_squeeze %dma_start3A_72 : memref<1x16xf32, #tpu.memory_space<hbm>> -> memref<16xf32, #tpu.memory_space<hbm>>
        tpu.enqueue_dma source(%arg11 : memref<16xf32, #tpu.memory_space<vmem>>) target(%dma_start3A_73 : memref<16xf32, #tpu.memory_space<hbm>>) target_semaphore(%run_scoped3A_68 : memref<!tpu.dma_semaphore, #tpu.memory_space<semaphore_mem>>)
        %dma_wait3A = arith.constant 0 : i32
        %dma_wait3A_74 = tpu.memref_slice %arg6[%add3A, %dma_wait3A] : memref<32x16xf32, #tpu.memory_space<hbm>> -> memref<1x16xf32, #tpu.memory_space<hbm>>
        %dma_wait3A_75 = tpu.memref_squeeze %dma_wait3A_74 : memref<1x16xf32, #tpu.memory_space<hbm>> -> memref<16xf32, #tpu.memory_space<hbm>>
        %dma_wait3A_76 = arith.constant 0 : i32
        %dma_wait3A_77 = tpu.memref_slice %arg6[%add3A, %dma_wait3A_76] : memref<32x16xf32, #tpu.memory_space<hbm>> -> memref<1x16xf32, #tpu.memory_space<hbm>>
        %dma_wait3A_78 = tpu.memref_squeeze %dma_wait3A_77 : memref<1x16xf32, #tpu.memory_space<hbm>> -> memref<16xf32, #tpu.memory_space<hbm>>
        tpu.wait_dma2 semaphore(%run_scoped3A_68 : memref<!tpu.dma_semaphore, #tpu.memory_space<semaphore_mem>>) src(%arg11 : memref<16xf32, #tpu.memory_space<vmem>>) dst(%dma_wait3A_78 : memref<16xf32, #tpu.memory_space<hbm>>)
        tpu.yield
      }) : () -> ()
    } else {
    }
    return
  }
}

#map = affine_map<(d0, d1) -> (0, 0)>
#map1 = affine_map<(d0, d1) -> (0)>
module attributes {stable_mosaic.version = 14 : i64} {
  func.func @_sc_edge_sum(%arg0: i32, %arg1: i32, %arg2: memref<10000x64xi32, #tpu.memory_space<hbm>>, %arg3: memref<2x320000xi32, #tpu.memory_space<hbm>>, %arg4: memref<128xf32, #tpu.memory_space<hbm>>, %arg5: memref<32x16xf32, #tpu.memory_space<hbm>>, %arg6: memref<10000xi32, #tpu.memory_space<vmem>>, %arg7: memref<10000xi32, #tpu.memory_space<vmem>>, %arg8: memref<200x64xi32, #tpu.memory_space<vmem>>, %arg9: memref<200x64xi32, #tpu.memory_space<vmem>>, %arg10: memref<200x64xi32, #tpu.memory_space<vmem>>, %arg11: memref<200x64xi32, #tpu.memory_space<vmem>>, %arg12: memref<128xf32, #tpu.memory_space<vmem>>, %arg13: memref<16xf32, #tpu.memory_space<vmem>>, %arg14: memref<10000x64xi32, #tpu.memory_space<vmem_shared>>, %arg15: memref<!tpu.dma_semaphore, #tpu.memory_space<semaphore_mem>>, %arg16: memref<!tpu.dma_semaphore, #tpu.memory_space<semaphore_mem>>, %arg17: memref<!tpu.dma_semaphore, #tpu.memory_space<semaphore_mem>>, %arg18: memref<!tpu.dma_semaphore, #tpu.memory_space<semaphore_mem>>) attributes {dimension_semantics = [#tpu.dimension_semantics<core_parallel>, #tpu.dimension_semantics<subcore_parallel>], iteration_bounds = array<i64: 2, 16>, scalar_prefetch = 0 : i64, scratch_operands = 13 : i64, tpu.core_type = #tpu.core_type<sc_vector_subcore>, window_params = [{transform_indices = #map}, {transform_indices = #map}, {transform_indices = #map1}, {transform_indices = #map}]} {
    %mul3A = arith.constant 2 : i32
    %mul3A_0 = arith.muli %arg1, %mul3A : i32
    %add3A = arith.addi %mul3A_0, %arg0 : i32
    %mul3A_1 = arith.constant 10000 : i32
    %mul3A_2 = arith.muli %add3A, %mul3A_1 : i32
    %mul3A_3 = arith.constant 625 : i32
    %mul3A_4 = arith.muli %arg1, %mul3A_3 : i32
    %mul3A_5 = arith.constant 625 : i32
    %mul3A_6 = arith.muli %arg1, %mul3A_5 : i32
    "tpu.region"() ({
      %run_scoped3A_78 = tpu.sem_alloc : memref<!tpu.dma_semaphore, #tpu.memory_space<semaphore_mem>>
      %dma_start3A_79 = arith.constant 0 : i32
      %dma_start3A_80 = tpu.memref_slice %arg14[%mul3A_6, %dma_start3A_79] : memref<10000x64xi32, #tpu.memory_space<vmem_shared>> -> memref<625x64xi32, #tpu.memory_space<vmem_shared>>
      %dma_start3A_81 = arith.constant 0 : i32
      %dma_start3A_82 = tpu.memref_slice %arg2[%mul3A_4, %dma_start3A_81] : memref<10000x64xi32, #tpu.memory_space<hbm>> -> memref<625x64xi32, #tpu.memory_space<hbm>>
      tpu.enqueue_dma source(%dma_start3A_82 : memref<625x64xi32, #tpu.memory_space<hbm>>) target(%dma_start3A_80 : memref<625x64xi32, #tpu.memory_space<vmem_shared>>) target_semaphore(%run_scoped3A_78 : memref<!tpu.dma_semaphore, #tpu.memory_space<semaphore_mem>>)
      %dma_wait3A = arith.constant 0 : i32
      %dma_wait3A_83 = tpu.memref_slice %arg14[%mul3A_6, %dma_wait3A] : memref<10000x64xi32, #tpu.memory_space<vmem_shared>> -> memref<625x64xi32, #tpu.memory_space<vmem_shared>>
      %dma_wait3A_84 = arith.constant 0 : i32
      %dma_wait3A_85 = tpu.memref_slice %arg2[%mul3A_4, %dma_wait3A_84] : memref<10000x64xi32, #tpu.memory_space<hbm>> -> memref<625x64xi32, #tpu.memory_space<hbm>>
      tpu.wait_dma2 semaphore(%run_scoped3A_78 : memref<!tpu.dma_semaphore, #tpu.memory_space<semaphore_mem>>) src(%dma_wait3A_85 : memref<625x64xi32, #tpu.memory_space<hbm>>) dst(%dma_wait3A_83 : memref<625x64xi32, #tpu.memory_space<vmem_shared>>)
      tpu.yield
    }) : () -> ()
    %run_scoped3A = arith.constant 0 : i32
    "tpu.region"() ({
      %run_scoped3A_78 = tpu.sem_alloc : memref<!tpu.dma_semaphore, #tpu.memory_space<semaphore_mem>>
      %dma_start3A_79 = tpu.memref_slice %arg3[%run_scoped3A, %mul3A_2] : memref<2x320000xi32, #tpu.memory_space<hbm>> -> memref<1x10000xi32, #tpu.memory_space<hbm>>
      %dma_start3A_80 = tpu.memref_squeeze %dma_start3A_79 : memref<1x10000xi32, #tpu.memory_space<hbm>> -> memref<10000xi32, #tpu.memory_space<hbm>>
      %dma_start3A_81 = tpu.memref_slice %arg3[%run_scoped3A, %mul3A_2] : memref<2x320000xi32, #tpu.memory_space<hbm>> -> memref<1x10000xi32, #tpu.memory_space<hbm>>
      %dma_start3A_82 = tpu.memref_squeeze %dma_start3A_81 : memref<1x10000xi32, #tpu.memory_space<hbm>> -> memref<10000xi32, #tpu.memory_space<hbm>>
      tpu.enqueue_dma source(%dma_start3A_82 : memref<10000xi32, #tpu.memory_space<hbm>>) target(%arg6 : memref<10000xi32, #tpu.memory_space<vmem>>) target_semaphore(%run_scoped3A_78 : memref<!tpu.dma_semaphore, #tpu.memory_space<semaphore_mem>>)
      %dma_wait3A = tpu.memref_slice %arg3[%run_scoped3A, %mul3A_2] : memref<2x320000xi32, #tpu.memory_space<hbm>> -> memref<1x10000xi32, #tpu.memory_space<hbm>>
      %dma_wait3A_83 = tpu.memref_squeeze %dma_wait3A : memref<1x10000xi32, #tpu.memory_space<hbm>> -> memref<10000xi32, #tpu.memory_space<hbm>>
      %dma_wait3A_84 = tpu.memref_slice %arg3[%run_scoped3A, %mul3A_2] : memref<2x320000xi32, #tpu.memory_space<hbm>> -> memref<1x10000xi32, #tpu.memory_space<hbm>>
      %dma_wait3A_85 = tpu.memref_squeeze %dma_wait3A_84 : memref<1x10000xi32, #tpu.memory_space<hbm>> -> memref<10000xi32, #tpu.memory_space<hbm>>
      tpu.wait_dma2 semaphore(%run_scoped3A_78 : memref<!tpu.dma_semaphore, #tpu.memory_space<semaphore_mem>>) src(%dma_wait3A_85 : memref<10000xi32, #tpu.memory_space<hbm>>) dst(%arg6 : memref<10000xi32, #tpu.memory_space<vmem>>)
      tpu.yield
    }) : () -> ()
    %run_scoped3A_7 = arith.constant 1 : i32
    "tpu.region"() ({
      %run_scoped3A_78 = tpu.sem_alloc : memref<!tpu.dma_semaphore, #tpu.memory_space<semaphore_mem>>
      %dma_start3A_79 = tpu.memref_slice %arg3[%run_scoped3A_7, %mul3A_2] : memref<2x320000xi32, #tpu.memory_space<hbm>> -> memref<1x10000xi32, #tpu.memory_space<hbm>>
      %dma_start3A_80 = tpu.memref_squeeze %dma_start3A_79 : memref<1x10000xi32, #tpu.memory_space<hbm>> -> memref<10000xi32, #tpu.memory_space<hbm>>
      %dma_start3A_81 = tpu.memref_slice %arg3[%run_scoped3A_7, %mul3A_2] : memref<2x320000xi32, #tpu.memory_space<hbm>> -> memref<1x10000xi32, #tpu.memory_space<hbm>>
      %dma_start3A_82 = tpu.memref_squeeze %dma_start3A_81 : memref<1x10000xi32, #tpu.memory_space<hbm>> -> memref<10000xi32, #tpu.memory_space<hbm>>
      tpu.enqueue_dma source(%dma_start3A_82 : memref<10000xi32, #tpu.memory_space<hbm>>) target(%arg7 : memref<10000xi32, #tpu.memory_space<vmem>>) target_semaphore(%run_scoped3A_78 : memref<!tpu.dma_semaphore, #tpu.memory_space<semaphore_mem>>)
      %dma_wait3A = tpu.memref_slice %arg3[%run_scoped3A_7, %mul3A_2] : memref<2x320000xi32, #tpu.memory_space<hbm>> -> memref<1x10000xi32, #tpu.memory_space<hbm>>
      %dma_wait3A_83 = tpu.memref_squeeze %dma_wait3A : memref<1x10000xi32, #tpu.memory_space<hbm>> -> memref<10000xi32, #tpu.memory_space<hbm>>
      %dma_wait3A_84 = tpu.memref_slice %arg3[%run_scoped3A_7, %mul3A_2] : memref<2x320000xi32, #tpu.memory_space<hbm>> -> memref<1x10000xi32, #tpu.memory_space<hbm>>
      %dma_wait3A_85 = tpu.memref_squeeze %dma_wait3A_84 : memref<1x10000xi32, #tpu.memory_space<hbm>> -> memref<10000xi32, #tpu.memory_space<hbm>>
      tpu.wait_dma2 semaphore(%run_scoped3A_78 : memref<!tpu.dma_semaphore, #tpu.memory_space<semaphore_mem>>) src(%dma_wait3A_85 : memref<10000xi32, #tpu.memory_space<hbm>>) dst(%arg7 : memref<10000xi32, #tpu.memory_space<vmem>>)
      tpu.yield
    }) : () -> ()
    "tpu.region"() ({
      %run_scoped3A_78 = tpu.sem_alloc : memref<!tpu.dma_semaphore, #tpu.memory_space<semaphore_mem>>
      tpu.enqueue_dma source(%arg4 : memref<128xf32, #tpu.memory_space<hbm>>) target(%arg12 : memref<128xf32, #tpu.memory_space<vmem>>) target_semaphore(%run_scoped3A_78 : memref<!tpu.dma_semaphore, #tpu.memory_space<semaphore_mem>>)
      tpu.wait_dma2 semaphore(%run_scoped3A_78 : memref<!tpu.dma_semaphore, #tpu.memory_space<semaphore_mem>>) src(%arg4 : memref<128xf32, #tpu.memory_space<hbm>>) dst(%arg12 : memref<128xf32, #tpu.memory_space<vmem>>)
      tpu.yield
    }) : () -> ()
    %barrier3A = arith.constant 0 : index
    tpu.barrier barrier_id(%barrier3A)
    %dma_start3A = arith.constant 0 : i32
    %dma_start3A_8 = tpu.memref_slice %arg6[%dma_start3A] : memref<10000xi32, #tpu.memory_space<vmem>> -> memref<200xi32, #tpu.memory_space<vmem>>
    %dma_start3A_9 = arith.constant 0 : i32
    %dma_start3A_10 = arith.constant 0 : i32
    %dma_start3A_11 = tpu.memref_slice %arg2[%dma_start3A_9, %dma_start3A_10] : memref<10000x64xi32, #tpu.memory_space<hbm>> -> memref<10000x64xi32, #tpu.memory_space<hbm>>
    tpu.enqueue_indirect_dma source(%dma_start3A_11 : memref<10000x64xi32, #tpu.memory_space<hbm>>) target(%arg8 : memref<200x64xi32, #tpu.memory_space<vmem>>) offsets(%dma_start3A_8 : memref<200xi32, #tpu.memory_space<vmem>>) semaphore(%arg15 : memref<!tpu.dma_semaphore, #tpu.memory_space<semaphore_mem>>)
    %dma_start3A_12 = arith.constant 0 : i32
    %dma_start3A_13 = tpu.memref_slice %arg7[%dma_start3A_12] : memref<10000xi32, #tpu.memory_space<vmem>> -> memref<200xi32, #tpu.memory_space<vmem>>
    %dma_start3A_14 = arith.constant 0 : i32
    %dma_start3A_15 = arith.constant 0 : i32
    %dma_start3A_16 = tpu.memref_slice %arg14[%dma_start3A_14, %dma_start3A_15] : memref<10000x64xi32, #tpu.memory_space<vmem_shared>> -> memref<10000x64xi32, #tpu.memory_space<vmem_shared>>
    tpu.enqueue_indirect_dma source(%dma_start3A_16 : memref<10000x64xi32, #tpu.memory_space<vmem_shared>>) target(%arg9 : memref<200x64xi32, #tpu.memory_space<vmem>>) offsets(%dma_start3A_13 : memref<200xi32, #tpu.memory_space<vmem>>) semaphore(%arg16 : memref<!tpu.dma_semaphore, #tpu.memory_space<semaphore_mem>>)
    %dma_start3A_17 = arith.constant 200 : i32
    %dma_start3A_18 = tpu.memref_slice %arg6[%dma_start3A_17] : memref<10000xi32, #tpu.memory_space<vmem>> -> memref<200xi32, #tpu.memory_space<vmem>>
    %dma_start3A_19 = arith.constant 0 : i32
    %dma_start3A_20 = arith.constant 0 : i32
    %dma_start3A_21 = tpu.memref_slice %arg2[%dma_start3A_19, %dma_start3A_20] : memref<10000x64xi32, #tpu.memory_space<hbm>> -> memref<10000x64xi32, #tpu.memory_space<hbm>>
    tpu.enqueue_indirect_dma source(%dma_start3A_21 : memref<10000x64xi32, #tpu.memory_space<hbm>>) target(%arg10 : memref<200x64xi32, #tpu.memory_space<vmem>>) offsets(%dma_start3A_18 : memref<200xi32, #tpu.memory_space<vmem>>) semaphore(%arg17 : memref<!tpu.dma_semaphore, #tpu.memory_space<semaphore_mem>>)
    %dma_start3A_22 = arith.constant 200 : i32
    %dma_start3A_23 = tpu.memref_slice %arg7[%dma_start3A_22] : memref<10000xi32, #tpu.memory_space<vmem>> -> memref<200xi32, #tpu.memory_space<vmem>>
    %dma_start3A_24 = arith.constant 0 : i32
    %dma_start3A_25 = arith.constant 0 : i32
    %dma_start3A_26 = tpu.memref_slice %arg14[%dma_start3A_24, %dma_start3A_25] : memref<10000x64xi32, #tpu.memory_space<vmem_shared>> -> memref<10000x64xi32, #tpu.memory_space<vmem_shared>>
    tpu.enqueue_indirect_dma source(%dma_start3A_26 : memref<10000x64xi32, #tpu.memory_space<vmem_shared>>) target(%arg11 : memref<200x64xi32, #tpu.memory_space<vmem>>) offsets(%dma_start3A_23 : memref<200xi32, #tpu.memory_space<vmem>>) semaphore(%arg18 : memref<!tpu.dma_semaphore, #tpu.memory_space<semaphore_mem>>)
    %broadcast_in_dim3A = arith.constant 0.000000e+00 : f32
    %broadcast_in_dim3A_27 = vector.broadcast %broadcast_in_dim3A : f32 to vector<16xf32>
    %broadcast_in_dim3A_28 = arith.constant 0.000000e+00 : f32
    %broadcast_in_dim3A_29 = vector.broadcast %broadcast_in_dim3A_28 : f32 to vector<16xf32>
    %broadcast_in_dim3A_30 = arith.constant 0.000000e+00 : f32
    %broadcast_in_dim3A_31 = vector.broadcast %broadcast_in_dim3A_30 : f32 to vector<16xf32>
    %broadcast_in_dim3A_32 = arith.constant 0.000000e+00 : f32
    %broadcast_in_dim3A_33 = vector.broadcast %broadcast_in_dim3A_32 : f32 to vector<16xf32>
    %broadcast_in_dim3A_34 = arith.constant 0.000000e+00 : f32
    %broadcast_in_dim3A_35 = vector.broadcast %broadcast_in_dim3A_34 : f32 to vector<16xf32>
    %broadcast_in_dim3A_36 = arith.constant 0.000000e+00 : f32
    %broadcast_in_dim3A_37 = vector.broadcast %broadcast_in_dim3A_36 : f32 to vector<16xf32>
    %broadcast_in_dim3A_38 = arith.constant 0.000000e+00 : f32
    %broadcast_in_dim3A_39 = vector.broadcast %broadcast_in_dim3A_38 : f32 to vector<16xf32>
    %broadcast_in_dim3A_40 = arith.constant 0.000000e+00 : f32
    %broadcast_in_dim3A_41 = vector.broadcast %broadcast_in_dim3A_40 : f32 to vector<16xf32>
    %scan3A = arith.constant 0 : i32
    %scan3A_42 = arith.constant 25 : i32
    %scan3A_43 = arith.addi %scan3A, %scan3A_42 : i32
    %scan3A_44 = arith.constant 1 : i32
    %scan3A_45:8 = scf.for %scan3A_78 = %scan3A to %scan3A_43 step %scan3A_44 iter_args(%scan3A_79 = %broadcast_in_dim3A_27, %scan3A_80 = %broadcast_in_dim3A_29, %scan3A_81 = %broadcast_in_dim3A_31, %scan3A_82 = %broadcast_in_dim3A_33, %scan3A_83 = %broadcast_in_dim3A_35, %scan3A_84 = %broadcast_in_dim3A_37, %scan3A_85 = %broadcast_in_dim3A_39, %scan3A_86 = %broadcast_in_dim3A_41) -> (vector<16xf32>, vector<16xf32>, vector<16xf32>, vector<16xf32>, vector<16xf32>, vector<16xf32>, vector<16xf32>, vector<16xf32>)  : i32 {
      %mul3A_87 = arith.constant 2 : i32
      %mul3A_88 = arith.muli %scan3A_78, %mul3A_87 : i32
      %add3A_89 = arith.constant 0 : i32
      %add3A_90 = arith.addi %mul3A_88, %add3A_89 : i32
      %dma_wait3A = arith.constant 0 : i32
      %dma_wait3A_91 = arith.constant 0 : i32
      %dma_wait3A_92 = tpu.memref_slice %arg2[%dma_wait3A, %dma_wait3A_91] : memref<10000x64xi32, #tpu.memory_space<hbm>> -> memref<200x64xi32, #tpu.memory_space<hbm>>
      %dma_wait3A_93 = arith.constant 0 : i32
      %dma_wait3A_94 = arith.constant 0 : i32
      %dma_wait3A_95 = tpu.memref_slice %arg2[%dma_wait3A_93, %dma_wait3A_94] : memref<10000x64xi32, #tpu.memory_space<hbm>> -> memref<200x64xi32, #tpu.memory_space<hbm>>
      tpu.wait_dma2 semaphore(%arg15 : memref<!tpu.dma_semaphore, #tpu.memory_space<semaphore_mem>>) src(%dma_wait3A_95 : memref<200x64xi32, #tpu.memory_space<hbm>>) dst(%arg8 : memref<200x64xi32, #tpu.memory_space<vmem>>)
      %dma_wait3A_96 = arith.constant 0 : i32
      %dma_wait3A_97 = arith.constant 0 : i32
      %dma_wait3A_98 = tpu.memref_slice %arg2[%dma_wait3A_96, %dma_wait3A_97] : memref<10000x64xi32, #tpu.memory_space<hbm>> -> memref<200x64xi32, #tpu.memory_space<hbm>>
      %dma_wait3A_99 = arith.constant 0 : i32
      %dma_wait3A_100 = arith.constant 0 : i32
      %dma_wait3A_101 = tpu.memref_slice %arg2[%dma_wait3A_99, %dma_wait3A_100] : memref<10000x64xi32, #tpu.memory_space<hbm>> -> memref<200x64xi32, #tpu.memory_space<hbm>>
      tpu.wait_dma2 semaphore(%arg16 : memref<!tpu.dma_semaphore, #tpu.memory_space<semaphore_mem>>) src(%dma_wait3A_101 : memref<200x64xi32, #tpu.memory_space<hbm>>) dst(%arg9 : memref<200x64xi32, #tpu.memory_space<vmem>>)
      %scan3A_102 = arith.constant 0 : i32
      %scan3A_103 = arith.constant 50 : i32
      %scan3A_104 = arith.addi %scan3A_102, %scan3A_103 : i32
      %scan3A_105 = arith.constant 1 : i32
      %scan3A_106:8 = scf.for %scan3A_141 = %scan3A_102 to %scan3A_104 step %scan3A_105 iter_args(%scan3A_142 = %scan3A_79, %scan3A_143 = %scan3A_80, %scan3A_144 = %scan3A_81, %scan3A_145 = %scan3A_82, %scan3A_146 = %scan3A_83, %scan3A_147 = %scan3A_84, %scan3A_148 = %scan3A_85, %scan3A_149 = %scan3A_86) -> (vector<16xf32>, vector<16xf32>, vector<16xf32>, vector<16xf32>, vector<16xf32>, vector<16xf32>, vector<16xf32>, vector<16xf32>)  : i32 {
        %mul3A_150 = arith.constant 4 : i32
        %mul3A_151 = arith.muli %mul3A_150, %scan3A_141 : i32
        %add3A_152 = arith.constant 0 : i32
        %add3A_153 = arith.addi %mul3A_151, %add3A_152 : i32
        %get3A_154 = arith.index_cast %add3A_153 : i32 to index
        %get3A_155 = arith.constant 0 : index
        %get3A_156 = tpu.vector_load %arg8[%get3A_154, %get3A_155] {strides = array<i32>} : memref<200x64xi32, #tpu.memory_space<vmem>>, vector<16xi32>,
        %mul3A_157 = arith.constant 4 : i32
        %mul3A_158 = arith.muli %mul3A_157, %scan3A_141 : i32
        %add3A_159 = arith.constant 0 : i32
        %add3A_160 = arith.addi %mul3A_158, %add3A_159 : i32
        %get3A_161 = arith.index_cast %add3A_160 : i32 to index
        %get3A_162 = arith.constant 0 : index
        %get3A_163 = tpu.vector_load %arg9[%get3A_161, %get3A_162] {strides = array<i32>} : memref<200x64xi32, #tpu.memory_space<vmem>>, vector<16xi32>,
        %bitcast3A = vector.bitcast %get3A_156 : vector<16xi32> to vector<32xbf16>
        %bitcast3A_164 = vector.bitcast %get3A_163 : vector<16xi32> to vector<32xbf16>
        %sub3A = arith.subf %bitcast3A, %bitcast3A_164 : vector<32xbf16>
        %mul3A_165 = arith.mulf %sub3A, %sub3A : vector<32xbf16>
        %unpack3A = tpu.unpack_subelements %mul3A_165, 0 {pack_format = #tpu.pack_format<interleaved>} : vector<32xbf16> -> vector<16xf32>
        %unpack3A_166 = tpu.unpack_subelements %mul3A_165, 1 {pack_format = #tpu.pack_format<interleaved>} : vector<32xbf16> -> vector<16xf32>
        %add3A_167 = arith.addf %scan3A_142, %unpack3A : vector<16xf32>
        %add3A_168 = arith.addf %scan3A_143, %unpack3A_166 : vector<16xf32>
        %mul3A_169 = arith.constant 4 : i32
        %mul3A_170 = arith.muli %mul3A_169, %scan3A_141 : i32
        %add3A_171 = arith.constant 0 : i32
        %add3A_172 = arith.addi %mul3A_170, %add3A_171 : i32
        %get3A_173 = arith.index_cast %add3A_172 : i32 to index
        %get3A_174 = arith.constant 16 : index
        %get3A_175 = tpu.vector_load %arg8[%get3A_173, %get3A_174] {strides = array<i32>} : memref<200x64xi32, #tpu.memory_space<vmem>>, vector<16xi32>,
        %mul3A_176 = arith.constant 4 : i32
        %mul3A_177 = arith.muli %mul3A_176, %scan3A_141 : i32
        %add3A_178 = arith.constant 0 : i32
        %add3A_179 = arith.addi %mul3A_177, %add3A_178 : i32
        %get3A_180 = arith.index_cast %add3A_179 : i32 to index
        %get3A_181 = arith.constant 16 : index
        %get3A_182 = tpu.vector_load %arg9[%get3A_180, %get3A_181] {strides = array<i32>} : memref<200x64xi32, #tpu.memory_space<vmem>>, vector<16xi32>,
        %bitcast3A_183 = vector.bitcast %get3A_175 : vector<16xi32> to vector<32xbf16>
        %bitcast3A_184 = vector.bitcast %get3A_182 : vector<16xi32> to vector<32xbf16>
        %sub3A_185 = arith.subf %bitcast3A_183, %bitcast3A_184 : vector<32xbf16>
        %mul3A_186 = arith.mulf %sub3A_185, %sub3A_185 : vector<32xbf16>
        %unpack3A_187 = tpu.unpack_subelements %mul3A_186, 0 {pack_format = #tpu.pack_format<interleaved>} : vector<32xbf16> -> vector<16xf32>
        %unpack3A_188 = tpu.unpack_subelements %mul3A_186, 1 {pack_format = #tpu.pack_format<interleaved>} : vector<32xbf16> -> vector<16xf32>
        %add3A_189 = arith.addf %scan3A_144, %unpack3A_187 : vector<16xf32>
        %add3A_190 = arith.addf %scan3A_145, %unpack3A_188 : vector<16xf32>
        %mul3A_191 = arith.constant 4 : i32
        %mul3A_192 = arith.muli %mul3A_191, %scan3A_141 : i32
        %add3A_193 = arith.constant 0 : i32
        %add3A_194 = arith.addi %mul3A_192, %add3A_193 : i32
        %get3A_195 = arith.index_cast %add3A_194 : i32 to index
        %get3A_196 = arith.constant 32 : index
        %get3A_197 = tpu.vector_load %arg8[%get3A_195, %get3A_196] {strides = array<i32>} : memref<200x64xi32, #tpu.memory_space<vmem>>, vector<16xi32>,
        %mul3A_198 = arith.constant 4 : i32
        %mul3A_199 = arith.muli %mul3A_198, %scan3A_141 : i32
        %add3A_200 = arith.constant 0 : i32
        %add3A_201 = arith.addi %mul3A_199, %add3A_200 : i32
        %get3A_202 = arith.index_cast %add3A_201 : i32 to index
        %get3A_203 = arith.constant 32 : index
        %get3A_204 = tpu.vector_load %arg9[%get3A_202, %get3A_203] {strides = array<i32>} : memref<200x64xi32, #tpu.memory_space<vmem>>, vector<16xi32>,
        %bitcast3A_205 = vector.bitcast %get3A_197 : vector<16xi32> to vector<32xbf16>
        %bitcast3A_206 = vector.bitcast %get3A_204 : vector<16xi32> to vector<32xbf16>
        %sub3A_207 = arith.subf %bitcast3A_205, %bitcast3A_206 : vector<32xbf16>
        %mul3A_208 = arith.mulf %sub3A_207, %sub3A_207 : vector<32xbf16>
        %unpack3A_209 = tpu.unpack_subelements %mul3A_208, 0 {pack_format = #tpu.pack_format<interleaved>} : vector<32xbf16> -> vector<16xf32>
        %unpack3A_210 = tpu.unpack_subelements %mul3A_208, 1 {pack_format = #tpu.pack_format<interleaved>} : vector<32xbf16> -> vector<16xf32>
        %add3A_211 = arith.addf %scan3A_146, %unpack3A_209 : vector<16xf32>
        %add3A_212 = arith.addf %scan3A_147, %unpack3A_210 : vector<16xf32>
        %mul3A_213 = arith.constant 4 : i32
        %mul3A_214 = arith.muli %mul3A_213, %scan3A_141 : i32
        %add3A_215 = arith.constant 0 : i32
        %add3A_216 = arith.addi %mul3A_214, %add3A_215 : i32
        %get3A_217 = arith.index_cast %add3A_216 : i32 to index
        %get3A_218 = arith.constant 48 : index
        %get3A_219 = tpu.vector_load %arg8[%get3A_217, %get3A_218] {strides = array<i32>} : memref<200x64xi32, #tpu.memory_space<vmem>>, vector<16xi32>,
        %mul3A_220 = arith.constant 4 : i32
        %mul3A_221 = arith.muli %mul3A_220, %scan3A_141 : i32
        %add3A_222 = arith.constant 0 : i32
        %add3A_223 = arith.addi %mul3A_221, %add3A_222 : i32
        %get3A_224 = arith.index_cast %add3A_223 : i32 to index
        %get3A_225 = arith.constant 48 : index
        %get3A_226 = tpu.vector_load %arg9[%get3A_224, %get3A_225] {strides = array<i32>} : memref<200x64xi32, #tpu.memory_space<vmem>>, vector<16xi32>,
        %bitcast3A_227 = vector.bitcast %get3A_219 : vector<16xi32> to vector<32xbf16>
        %bitcast3A_228 = vector.bitcast %get3A_226 : vector<16xi32> to vector<32xbf16>
        %sub3A_229 = arith.subf %bitcast3A_227, %bitcast3A_228 : vector<32xbf16>
        %mul3A_230 = arith.mulf %sub3A_229, %sub3A_229 : vector<32xbf16>
        %unpack3A_231 = tpu.unpack_subelements %mul3A_230, 0 {pack_format = #tpu.pack_format<interleaved>} : vector<32xbf16> -> vector<16xf32>
        %unpack3A_232 = tpu.unpack_subelements %mul3A_230, 1 {pack_format = #tpu.pack_format<interleaved>} : vector<32xbf16> -> vector<16xf32>
        %add3A_233 = arith.addf %scan3A_148, %unpack3A_231 : vector<16xf32>
        %add3A_234 = arith.addf %scan3A_149, %unpack3A_232 : vector<16xf32>
        %mul3A_235 = arith.constant 4 : i32
        %mul3A_236 = arith.muli %mul3A_235, %scan3A_141 : i32
        %add3A_237 = arith.constant 1 : i32
        %add3A_238 = arith.addi %mul3A_236, %add3A_237 : i32
        %get3A_239 = arith.index_cast %add3A_238 : i32 to index
        %get3A_240 = arith.constant 0 : index
        %get3A_241 = tpu.vector_load %arg8[%get3A_239, %get3A_240] {strides = array<i32>} : memref<200x64xi32, #tpu.memory_space<vmem>>, vector<16xi32>,
        %mul3A_242 = arith.constant 4 : i32
        %mul3A_243 = arith.muli %mul3A_242, %scan3A_141 : i32
        %add3A_244 = arith.constant 1 : i32
        %add3A_245 = arith.addi %mul3A_243, %add3A_244 : i32
        %get3A_246 = arith.index_cast %add3A_245 : i32 to index
        %get3A_247 = arith.constant 0 : index
        %get3A_248 = tpu.vector_load %arg9[%get3A_246, %get3A_247] {strides = array<i32>} : memref<200x64xi32, #tpu.memory_space<vmem>>, vector<16xi32>,
        %bitcast3A_249 = vector.bitcast %get3A_241 : vector<16xi32> to vector<32xbf16>
        %bitcast3A_250 = vector.bitcast %get3A_248 : vector<16xi32> to vector<32xbf16>
        %sub3A_251 = arith.subf %bitcast3A_249, %bitcast3A_250 : vector<32xbf16>
        %mul3A_252 = arith.mulf %sub3A_251, %sub3A_251 : vector<32xbf16>
        %unpack3A_253 = tpu.unpack_subelements %mul3A_252, 0 {pack_format = #tpu.pack_format<interleaved>} : vector<32xbf16> -> vector<16xf32>
        %unpack3A_254 = tpu.unpack_subelements %mul3A_252, 1 {pack_format = #tpu.pack_format<interleaved>} : vector<32xbf16> -> vector<16xf32>
        %add3A_255 = arith.addf %add3A_167, %unpack3A_253 : vector<16xf32>
        %add3A_256 = arith.addf %add3A_168, %unpack3A_254 : vector<16xf32>
        %mul3A_257 = arith.constant 4 : i32
        %mul3A_258 = arith.muli %mul3A_257, %scan3A_141 : i32
        %add3A_259 = arith.constant 1 : i32
        %add3A_260 = arith.addi %mul3A_258, %add3A_259 : i32
        %get3A_261 = arith.index_cast %add3A_260 : i32 to index
        %get3A_262 = arith.constant 16 : index
        %get3A_263 = tpu.vector_load %arg8[%get3A_261, %get3A_262] {strides = array<i32>} : memref<200x64xi32, #tpu.memory_space<vmem>>, vector<16xi32>,
        %mul3A_264 = arith.constant 4 : i32
        %mul3A_265 = arith.muli %mul3A_264, %scan3A_141 : i32
        %add3A_266 = arith.constant 1 : i32
        %add3A_267 = arith.addi %mul3A_265, %add3A_266 : i32
        %get3A_268 = arith.index_cast %add3A_267 : i32 to index
        %get3A_269 = arith.constant 16 : index
        %get3A_270 = tpu.vector_load %arg9[%get3A_268, %get3A_269] {strides = array<i32>} : memref<200x64xi32, #tpu.memory_space<vmem>>, vector<16xi32>,
        %bitcast3A_271 = vector.bitcast %get3A_263 : vector<16xi32> to vector<32xbf16>
        %bitcast3A_272 = vector.bitcast %get3A_270 : vector<16xi32> to vector<32xbf16>
        %sub3A_273 = arith.subf %bitcast3A_271, %bitcast3A_272 : vector<32xbf16>
        %mul3A_274 = arith.mulf %sub3A_273, %sub3A_273 : vector<32xbf16>
        %unpack3A_275 = tpu.unpack_subelements %mul3A_274, 0 {pack_format = #tpu.pack_format<interleaved>} : vector<32xbf16> -> vector<16xf32>
        %unpack3A_276 = tpu.unpack_subelements %mul3A_274, 1 {pack_format = #tpu.pack_format<interleaved>} : vector<32xbf16> -> vector<16xf32>
        %add3A_277 = arith.addf %add3A_189, %unpack3A_275 : vector<16xf32>
        %add3A_278 = arith.addf %add3A_190, %unpack3A_276 : vector<16xf32>
        %mul3A_279 = arith.constant 4 : i32
        %mul3A_280 = arith.muli %mul3A_279, %scan3A_141 : i32
        %add3A_281 = arith.constant 1 : i32
        %add3A_282 = arith.addi %mul3A_280, %add3A_281 : i32
        %get3A_283 = arith.index_cast %add3A_282 : i32 to index
        %get3A_284 = arith.constant 32 : index
        %get3A_285 = tpu.vector_load %arg8[%get3A_283, %get3A_284] {strides = array<i32>} : memref<200x64xi32, #tpu.memory_space<vmem>>, vector<16xi32>,
        %mul3A_286 = arith.constant 4 : i32
        %mul3A_287 = arith.muli %mul3A_286, %scan3A_141 : i32
        %add3A_288 = arith.constant 1 : i32
        %add3A_289 = arith.addi %mul3A_287, %add3A_288 : i32
        %get3A_290 = arith.index_cast %add3A_289 : i32 to index
        %get3A_291 = arith.constant 32 : index
        %get3A_292 = tpu.vector_load %arg9[%get3A_290, %get3A_291] {strides = array<i32>} : memref<200x64xi32, #tpu.memory_space<vmem>>, vector<16xi32>,
        %bitcast3A_293 = vector.bitcast %get3A_285 : vector<16xi32> to vector<32xbf16>
        %bitcast3A_294 = vector.bitcast %get3A_292 : vector<16xi32> to vector<32xbf16>
        %sub3A_295 = arith.subf %bitcast3A_293, %bitcast3A_294 : vector<32xbf16>
        %mul3A_296 = arith.mulf %sub3A_295, %sub3A_295 : vector<32xbf16>
        %unpack3A_297 = tpu.unpack_subelements %mul3A_296, 0 {pack_format = #tpu.pack_format<interleaved>} : vector<32xbf16> -> vector<16xf32>
        %unpack3A_298 = tpu.unpack_subelements %mul3A_296, 1 {pack_format = #tpu.pack_format<interleaved>} : vector<32xbf16> -> vector<16xf32>
        %add3A_299 = arith.addf %add3A_211, %unpack3A_297 : vector<16xf32>
        %add3A_300 = arith.addf %add3A_212, %unpack3A_298 : vector<16xf32>
        %mul3A_301 = arith.constant 4 : i32
        %mul3A_302 = arith.muli %mul3A_301, %scan3A_141 : i32
        %add3A_303 = arith.constant 1 : i32
        %add3A_304 = arith.addi %mul3A_302, %add3A_303 : i32
        %get3A_305 = arith.index_cast %add3A_304 : i32 to index
        %get3A_306 = arith.constant 48 : index
        %get3A_307 = tpu.vector_load %arg8[%get3A_305, %get3A_306] {strides = array<i32>} : memref<200x64xi32, #tpu.memory_space<vmem>>, vector<16xi32>,
        %mul3A_308 = arith.constant 4 : i32
        %mul3A_309 = arith.muli %mul3A_308, %scan3A_141 : i32
        %add3A_310 = arith.constant 1 : i32
        %add3A_311 = arith.addi %mul3A_309, %add3A_310 : i32
        %get3A_312 = arith.index_cast %add3A_311 : i32 to index
        %get3A_313 = arith.constant 48 : index
        %get3A_314 = tpu.vector_load %arg9[%get3A_312, %get3A_313] {strides = array<i32>} : memref<200x64xi32, #tpu.memory_space<vmem>>, vector<16xi32>,
        %bitcast3A_315 = vector.bitcast %get3A_307 : vector<16xi32> to vector<32xbf16>
        %bitcast3A_316 = vector.bitcast %get3A_314 : vector<16xi32> to vector<32xbf16>
        %sub3A_317 = arith.subf %bitcast3A_315, %bitcast3A_316 : vector<32xbf16>
        %mul3A_318 = arith.mulf %sub3A_317, %sub3A_317 : vector<32xbf16>
        %unpack3A_319 = tpu.unpack_subelements %mul3A_318, 0 {pack_format = #tpu.pack_format<interleaved>} : vector<32xbf16> -> vector<16xf32>
        %unpack3A_320 = tpu.unpack_subelements %mul3A_318, 1 {pack_format = #tpu.pack_format<interleaved>} : vector<32xbf16> -> vector<16xf32>
        %add3A_321 = arith.addf %add3A_233, %unpack3A_319 : vector<16xf32>
        %add3A_322 = arith.addf %add3A_234, %unpack3A_320 : vector<16xf32>
        %mul3A_323 = arith.constant 4 : i32
        %mul3A_324 = arith.muli %mul3A_323, %scan3A_141 : i32
        %add3A_325 = arith.constant 2 : i32
        %add3A_326 = arith.addi %mul3A_324, %add3A_325 : i32
        %get3A_327 = arith.index_cast %add3A_326 : i32 to index
        %get3A_328 = arith.constant 0 : index
        %get3A_329 = tpu.vector_load %arg8[%get3A_327, %get3A_328] {strides = array<i32>} : memref<200x64xi32, #tpu.memory_space<vmem>>, vector<16xi32>,
        %mul3A_330 = arith.constant 4 : i32
        %mul3A_331 = arith.muli %mul3A_330, %scan3A_141 : i32
        %add3A_332 = arith.constant 2 : i32
        %add3A_333 = arith.addi %mul3A_331, %add3A_332 : i32
        %get3A_334 = arith.index_cast %add3A_333 : i32 to index
        %get3A_335 = arith.constant 0 : index
        %get3A_336 = tpu.vector_load %arg9[%get3A_334, %get3A_335] {strides = array<i32>} : memref<200x64xi32, #tpu.memory_space<vmem>>, vector<16xi32>,
        %bitcast3A_337 = vector.bitcast %get3A_329 : vector<16xi32> to vector<32xbf16>
        %bitcast3A_338 = vector.bitcast %get3A_336 : vector<16xi32> to vector<32xbf16>
        %sub3A_339 = arith.subf %bitcast3A_337, %bitcast3A_338 : vector<32xbf16>
        %mul3A_340 = arith.mulf %sub3A_339, %sub3A_339 : vector<32xbf16>
        %unpack3A_341 = tpu.unpack_subelements %mul3A_340, 0 {pack_format = #tpu.pack_format<interleaved>} : vector<32xbf16> -> vector<16xf32>
        %unpack3A_342 = tpu.unpack_subelements %mul3A_340, 1 {pack_format = #tpu.pack_format<interleaved>} : vector<32xbf16> -> vector<16xf32>
        %add3A_343 = arith.addf %add3A_255, %unpack3A_341 : vector<16xf32>
        %add3A_344 = arith.addf %add3A_256, %unpack3A_342 : vector<16xf32>
        %mul3A_345 = arith.constant 4 : i32
        %mul3A_346 = arith.muli %mul3A_345, %scan3A_141 : i32
        %add3A_347 = arith.constant 2 : i32
        %add3A_348 = arith.addi %mul3A_346, %add3A_347 : i32
        %get3A_349 = arith.index_cast %add3A_348 : i32 to index
        %get3A_350 = arith.constant 16 : index
        %get3A_351 = tpu.vector_load %arg8[%get3A_349, %get3A_350] {strides = array<i32>} : memref<200x64xi32, #tpu.memory_space<vmem>>, vector<16xi32>,
        %mul3A_352 = arith.constant 4 : i32
        %mul3A_353 = arith.muli %mul3A_352, %scan3A_141 : i32
        %add3A_354 = arith.constant 2 : i32
        %add3A_355 = arith.addi %mul3A_353, %add3A_354 : i32
        %get3A_356 = arith.index_cast %add3A_355 : i32 to index
        %get3A_357 = arith.constant 16 : index
        %get3A_358 = tpu.vector_load %arg9[%get3A_356, %get3A_357] {strides = array<i32>} : memref<200x64xi32, #tpu.memory_space<vmem>>, vector<16xi32>,
        %bitcast3A_359 = vector.bitcast %get3A_351 : vector<16xi32> to vector<32xbf16>
        %bitcast3A_360 = vector.bitcast %get3A_358 : vector<16xi32> to vector<32xbf16>
        %sub3A_361 = arith.subf %bitcast3A_359, %bitcast3A_360 : vector<32xbf16>
        %mul3A_362 = arith.mulf %sub3A_361, %sub3A_361 : vector<32xbf16>
        %unpack3A_363 = tpu.unpack_subelements %mul3A_362, 0 {pack_format = #tpu.pack_format<interleaved>} : vector<32xbf16> -> vector<16xf32>
        %unpack3A_364 = tpu.unpack_subelements %mul3A_362, 1 {pack_format = #tpu.pack_format<interleaved>} : vector<32xbf16> -> vector<16xf32>
        %add3A_365 = arith.addf %add3A_277, %unpack3A_363 : vector<16xf32>
        %add3A_366 = arith.addf %add3A_278, %unpack3A_364 : vector<16xf32>
        %mul3A_367 = arith.constant 4 : i32
        %mul3A_368 = arith.muli %mul3A_367, %scan3A_141 : i32
        %add3A_369 = arith.constant 2 : i32
        %add3A_370 = arith.addi %mul3A_368, %add3A_369 : i32
        %get3A_371 = arith.index_cast %add3A_370 : i32 to index
        %get3A_372 = arith.constant 32 : index
        %get3A_373 = tpu.vector_load %arg8[%get3A_371, %get3A_372] {strides = array<i32>} : memref<200x64xi32, #tpu.memory_space<vmem>>, vector<16xi32>,
        %mul3A_374 = arith.constant 4 : i32
        %mul3A_375 = arith.muli %mul3A_374, %scan3A_141 : i32
        %add3A_376 = arith.constant 2 : i32
        %add3A_377 = arith.addi %mul3A_375, %add3A_376 : i32
        %get3A_378 = arith.index_cast %add3A_377 : i32 to index
        %get3A_379 = arith.constant 32 : index
        %get3A_380 = tpu.vector_load %arg9[%get3A_378, %get3A_379] {strides = array<i32>} : memref<200x64xi32, #tpu.memory_space<vmem>>, vector<16xi32>,
        %bitcast3A_381 = vector.bitcast %get3A_373 : vector<16xi32> to vector<32xbf16>
        %bitcast3A_382 = vector.bitcast %get3A_380 : vector<16xi32> to vector<32xbf16>
        %sub3A_383 = arith.subf %bitcast3A_381, %bitcast3A_382 : vector<32xbf16>
        %mul3A_384 = arith.mulf %sub3A_383, %sub3A_383 : vector<32xbf16>
        %unpack3A_385 = tpu.unpack_subelements %mul3A_384, 0 {pack_format = #tpu.pack_format<interleaved>} : vector<32xbf16> -> vector<16xf32>
        %unpack3A_386 = tpu.unpack_subelements %mul3A_384, 1 {pack_format = #tpu.pack_format<interleaved>} : vector<32xbf16> -> vector<16xf32>
        %add3A_387 = arith.addf %add3A_299, %unpack3A_385 : vector<16xf32>
        %add3A_388 = arith.addf %add3A_300, %unpack3A_386 : vector<16xf32>
        %mul3A_389 = arith.constant 4 : i32
        %mul3A_390 = arith.muli %mul3A_389, %scan3A_141 : i32
        %add3A_391 = arith.constant 2 : i32
        %add3A_392 = arith.addi %mul3A_390, %add3A_391 : i32
        %get3A_393 = arith.index_cast %add3A_392 : i32 to index
        %get3A_394 = arith.constant 48 : index
        %get3A_395 = tpu.vector_load %arg8[%get3A_393, %get3A_394] {strides = array<i32>} : memref<200x64xi32, #tpu.memory_space<vmem>>, vector<16xi32>,
        %mul3A_396 = arith.constant 4 : i32
        %mul3A_397 = arith.muli %mul3A_396, %scan3A_141 : i32
        %add3A_398 = arith.constant 2 : i32
        %add3A_399 = arith.addi %mul3A_397, %add3A_398 : i32
        %get3A_400 = arith.index_cast %add3A_399 : i32 to index
        %get3A_401 = arith.constant 48 : index
        %get3A_402 = tpu.vector_load %arg9[%get3A_400, %get3A_401] {strides = array<i32>} : memref<200x64xi32, #tpu.memory_space<vmem>>, vector<16xi32>,
        %bitcast3A_403 = vector.bitcast %get3A_395 : vector<16xi32> to vector<32xbf16>
        %bitcast3A_404 = vector.bitcast %get3A_402 : vector<16xi32> to vector<32xbf16>
        %sub3A_405 = arith.subf %bitcast3A_403, %bitcast3A_404 : vector<32xbf16>
        %mul3A_406 = arith.mulf %sub3A_405, %sub3A_405 : vector<32xbf16>
        %unpack3A_407 = tpu.unpack_subelements %mul3A_406, 0 {pack_format = #tpu.pack_format<interleaved>} : vector<32xbf16> -> vector<16xf32>
        %unpack3A_408 = tpu.unpack_subelements %mul3A_406, 1 {pack_format = #tpu.pack_format<interleaved>} : vector<32xbf16> -> vector<16xf32>
        %add3A_409 = arith.addf %add3A_321, %unpack3A_407 : vector<16xf32>
        %add3A_410 = arith.addf %add3A_322, %unpack3A_408 : vector<16xf32>
        %mul3A_411 = arith.constant 4 : i32
        %mul3A_412 = arith.muli %mul3A_411, %scan3A_141 : i32
        %add3A_413 = arith.constant 3 : i32
        %add3A_414 = arith.addi %mul3A_412, %add3A_413 : i32
        %get3A_415 = arith.index_cast %add3A_414 : i32 to index
        %get3A_416 = arith.constant 0 : index
        %get3A_417 = tpu.vector_load %arg8[%get3A_415, %get3A_416] {strides = array<i32>} : memref<200x64xi32, #tpu.memory_space<vmem>>, vector<16xi32>,
        %mul3A_418 = arith.constant 4 : i32
        %mul3A_419 = arith.muli %mul3A_418, %scan3A_141 : i32
        %add3A_420 = arith.constant 3 : i32
        %add3A_421 = arith.addi %mul3A_419, %add3A_420 : i32
        %get3A_422 = arith.index_cast %add3A_421 : i32 to index
        %get3A_423 = arith.constant 0 : index
        %get3A_424 = tpu.vector_load %arg9[%get3A_422, %get3A_423] {strides = array<i32>} : memref<200x64xi32, #tpu.memory_space<vmem>>, vector<16xi32>,
        %bitcast3A_425 = vector.bitcast %get3A_417 : vector<16xi32> to vector<32xbf16>
        %bitcast3A_426 = vector.bitcast %get3A_424 : vector<16xi32> to vector<32xbf16>
        %sub3A_427 = arith.subf %bitcast3A_425, %bitcast3A_426 : vector<32xbf16>
        %mul3A_428 = arith.mulf %sub3A_427, %sub3A_427 : vector<32xbf16>
        %unpack3A_429 = tpu.unpack_subelements %mul3A_428, 0 {pack_format = #tpu.pack_format<interleaved>} : vector<32xbf16> -> vector<16xf32>
        %unpack3A_430 = tpu.unpack_subelements %mul3A_428, 1 {pack_format = #tpu.pack_format<interleaved>} : vector<32xbf16> -> vector<16xf32>
        %add3A_431 = arith.addf %add3A_343, %unpack3A_429 : vector<16xf32>
        %add3A_432 = arith.addf %add3A_344, %unpack3A_430 : vector<16xf32>
        %mul3A_433 = arith.constant 4 : i32
        %mul3A_434 = arith.muli %mul3A_433, %scan3A_141 : i32
        %add3A_435 = arith.constant 3 : i32
        %add3A_436 = arith.addi %mul3A_434, %add3A_435 : i32
        %get3A_437 = arith.index_cast %add3A_436 : i32 to index
        %get3A_438 = arith.constant 16 : index
        %get3A_439 = tpu.vector_load %arg8[%get3A_437, %get3A_438] {strides = array<i32>} : memref<200x64xi32, #tpu.memory_space<vmem>>, vector<16xi32>,
        %mul3A_440 = arith.constant 4 : i32
        %mul3A_441 = arith.muli %mul3A_440, %scan3A_141 : i32
        %add3A_442 = arith.constant 3 : i32
        %add3A_443 = arith.addi %mul3A_441, %add3A_442 : i32
        %get3A_444 = arith.index_cast %add3A_443 : i32 to index
        %get3A_445 = arith.constant 16 : index
        %get3A_446 = tpu.vector_load %arg9[%get3A_444, %get3A_445] {strides = array<i32>} : memref<200x64xi32, #tpu.memory_space<vmem>>, vector<16xi32>,
        %bitcast3A_447 = vector.bitcast %get3A_439 : vector<16xi32> to vector<32xbf16>
        %bitcast3A_448 = vector.bitcast %get3A_446 : vector<16xi32> to vector<32xbf16>
        %sub3A_449 = arith.subf %bitcast3A_447, %bitcast3A_448 : vector<32xbf16>
        %mul3A_450 = arith.mulf %sub3A_449, %sub3A_449 : vector<32xbf16>
        %unpack3A_451 = tpu.unpack_subelements %mul3A_450, 0 {pack_format = #tpu.pack_format<interleaved>} : vector<32xbf16> -> vector<16xf32>
        %unpack3A_452 = tpu.unpack_subelements %mul3A_450, 1 {pack_format = #tpu.pack_format<interleaved>} : vector<32xbf16> -> vector<16xf32>
        %add3A_453 = arith.addf %add3A_365, %unpack3A_451 : vector<16xf32>
        %add3A_454 = arith.addf %add3A_366, %unpack3A_452 : vector<16xf32>
        %mul3A_455 = arith.constant 4 : i32
        %mul3A_456 = arith.muli %mul3A_455, %scan3A_141 : i32
        %add3A_457 = arith.constant 3 : i32
        %add3A_458 = arith.addi %mul3A_456, %add3A_457 : i32
        %get3A_459 = arith.index_cast %add3A_458 : i32 to index
        %get3A_460 = arith.constant 32 : index
        %get3A_461 = tpu.vector_load %arg8[%get3A_459, %get3A_460] {strides = array<i32>} : memref<200x64xi32, #tpu.memory_space<vmem>>, vector<16xi32>,
        %mul3A_462 = arith.constant 4 : i32
        %mul3A_463 = arith.muli %mul3A_462, %scan3A_141 : i32
        %add3A_464 = arith.constant 3 : i32
        %add3A_465 = arith.addi %mul3A_463, %add3A_464 : i32
        %get3A_466 = arith.index_cast %add3A_465 : i32 to index
        %get3A_467 = arith.constant 32 : index
        %get3A_468 = tpu.vector_load %arg9[%get3A_466, %get3A_467] {strides = array<i32>} : memref<200x64xi32, #tpu.memory_space<vmem>>, vector<16xi32>,
        %bitcast3A_469 = vector.bitcast %get3A_461 : vector<16xi32> to vector<32xbf16>
        %bitcast3A_470 = vector.bitcast %get3A_468 : vector<16xi32> to vector<32xbf16>
        %sub3A_471 = arith.subf %bitcast3A_469, %bitcast3A_470 : vector<32xbf16>
        %mul3A_472 = arith.mulf %sub3A_471, %sub3A_471 : vector<32xbf16>
        %unpack3A_473 = tpu.unpack_subelements %mul3A_472, 0 {pack_format = #tpu.pack_format<interleaved>} : vector<32xbf16> -> vector<16xf32>
        %unpack3A_474 = tpu.unpack_subelements %mul3A_472, 1 {pack_format = #tpu.pack_format<interleaved>} : vector<32xbf16> -> vector<16xf32>
        %add3A_475 = arith.addf %add3A_387, %unpack3A_473 : vector<16xf32>
        %add3A_476 = arith.addf %add3A_388, %unpack3A_474 : vector<16xf32>
        %mul3A_477 = arith.constant 4 : i32
        %mul3A_478 = arith.muli %mul3A_477, %scan3A_141 : i32
        %add3A_479 = arith.constant 3 : i32
        %add3A_480 = arith.addi %mul3A_478, %add3A_479 : i32
        %get3A_481 = arith.index_cast %add3A_480 : i32 to index
        %get3A_482 = arith.constant 48 : index
        %get3A_483 = tpu.vector_load %arg8[%get3A_481, %get3A_482] {strides = array<i32>} : memref<200x64xi32, #tpu.memory_space<vmem>>, vector<16xi32>,
        %mul3A_484 = arith.constant 4 : i32
        %mul3A_485 = arith.muli %mul3A_484, %scan3A_141 : i32
        %add3A_486 = arith.constant 3 : i32
        %add3A_487 = arith.addi %mul3A_485, %add3A_486 : i32
        %get3A_488 = arith.index_cast %add3A_487 : i32 to index
        %get3A_489 = arith.constant 48 : index
        %get3A_490 = tpu.vector_load %arg9[%get3A_488, %get3A_489] {strides = array<i32>} : memref<200x64xi32, #tpu.memory_space<vmem>>, vector<16xi32>,
        %bitcast3A_491 = vector.bitcast %get3A_483 : vector<16xi32> to vector<32xbf16>
        %bitcast3A_492 = vector.bitcast %get3A_490 : vector<16xi32> to vector<32xbf16>
        %sub3A_493 = arith.subf %bitcast3A_491, %bitcast3A_492 : vector<32xbf16>
        %mul3A_494 = arith.mulf %sub3A_493, %sub3A_493 : vector<32xbf16>
        %unpack3A_495 = tpu.unpack_subelements %mul3A_494, 0 {pack_format = #tpu.pack_format<interleaved>} : vector<32xbf16> -> vector<16xf32>
        %unpack3A_496 = tpu.unpack_subelements %mul3A_494, 1 {pack_format = #tpu.pack_format<interleaved>} : vector<32xbf16> -> vector<16xf32>
        %add3A_497 = arith.addf %add3A_409, %unpack3A_495 : vector<16xf32>
        %add3A_498 = arith.addf %add3A_410, %unpack3A_496 : vector<16xf32>
        scf.yield %add3A_431, %add3A_432, %add3A_453, %add3A_454, %add3A_475, %add3A_476, %add3A_497, %add3A_498 : vector<16xf32>, vector<16xf32>, vector<16xf32>, vector<16xf32>, vector<16xf32>, vector<16xf32>, vector<16xf32>, vector<16xf32>
      }
      %scan3A_107 = arith.constant 50 : i32
      %add3A_108 = arith.constant 2 : i32
      %add3A_109 = arith.addi %add3A_90, %add3A_108 : i32
      %lt3A = arith.constant 50 : i32
      %lt3A_110 = arith.cmpi slt, %add3A_109, %lt3A : i32
      %convert_element_type3A = arith.extui %lt3A_110 : i1 to i32
      %cond3A = arith.constant 0 : i32
      %cond3A_111 = arith.cmpi ne, %convert_element_type3A, %cond3A : i32
      scf.if %cond3A_111 {
        %add3A_141 = arith.constant 2 : i32
        %add3A_142 = arith.addi %add3A_90, %add3A_141 : i32
        %mul3A_143 = arith.constant 200 : i32
        %mul3A_144 = arith.muli %add3A_142, %mul3A_143 : i32
        %dma_start3A_145 = tpu.memref_slice %arg6[%mul3A_144] : memref<10000xi32, #tpu.memory_space<vmem>> -> memref<200xi32, #tpu.memory_space<vmem>>
        %dma_start3A_146 = arith.constant 0 : i32
        %dma_start3A_147 = arith.constant 0 : i32
        %dma_start3A_148 = tpu.memref_slice %arg2[%dma_start3A_146, %dma_start3A_147] : memref<10000x64xi32, #tpu.memory_space<hbm>> -> memref<10000x64xi32, #tpu.memory_space<hbm>>
        tpu.enqueue_indirect_dma source(%dma_start3A_148 : memref<10000x64xi32, #tpu.memory_space<hbm>>) target(%arg8 : memref<200x64xi32, #tpu.memory_space<vmem>>) offsets(%dma_start3A_145 : memref<200xi32, #tpu.memory_space<vmem>>) semaphore(%arg15 : memref<!tpu.dma_semaphore, #tpu.memory_space<semaphore_mem>>)
        %mul3A_149 = arith.constant 200 : i32
        %mul3A_150 = arith.muli %add3A_142, %mul3A_149 : i32
        %dma_start3A_151 = tpu.memref_slice %arg7[%mul3A_150] : memref<10000xi32, #tpu.memory_space<vmem>> -> memref<200xi32, #tpu.memory_space<vmem>>
        %dma_start3A_152 = arith.constant 0 : i32
        %dma_start3A_153 = arith.constant 0 : i32
        %dma_start3A_154 = tpu.memref_slice %arg14[%dma_start3A_152, %dma_start3A_153] : memref<10000x64xi32, #tpu.memory_space<vmem_shared>> -> memref<10000x64xi32, #tpu.memory_space<vmem_shared>>
        tpu.enqueue_indirect_dma source(%dma_start3A_154 : memref<10000x64xi32, #tpu.memory_space<vmem_shared>>) target(%arg9 : memref<200x64xi32, #tpu.memory_space<vmem>>) offsets(%dma_start3A_151 : memref<200xi32, #tpu.memory_space<vmem>>) semaphore(%arg16 : memref<!tpu.dma_semaphore, #tpu.memory_space<semaphore_mem>>)
      } else {
      }
      %mul3A_112 = arith.constant 2 : i32
      %mul3A_113 = arith.muli %scan3A_78, %mul3A_112 : i32
      %add3A_114 = arith.constant 1 : i32
      %add3A_115 = arith.addi %mul3A_113, %add3A_114 : i32
      %dma_wait3A_116 = arith.constant 0 : i32
      %dma_wait3A_117 = arith.constant 0 : i32
      %dma_wait3A_118 = tpu.memref_slice %arg2[%dma_wait3A_116, %dma_wait3A_117] : memref<10000x64xi32, #tpu.memory_space<hbm>> -> memref<200x64xi32, #tpu.memory_space<hbm>>
      %dma_wait3A_119 = arith.constant 0 : i32
      %dma_wait3A_120 = arith.constant 0 : i32
      %dma_wait3A_121 = tpu.memref_slice %arg2[%dma_wait3A_119, %dma_wait3A_120] : memref<10000x64xi32, #tpu.memory_space<hbm>> -> memref<200x64xi32, #tpu.memory_space<hbm>>
      tpu.wait_dma2 semaphore(%arg17 : memref<!tpu.dma_semaphore, #tpu.memory_space<semaphore_mem>>) src(%dma_wait3A_121 : memref<200x64xi32, #tpu.memory_space<hbm>>) dst(%arg10 : memref<200x64xi32, #tpu.memory_space<vmem>>)
      %dma_wait3A_122 = arith.constant 0 : i32
      %dma_wait3A_123 = arith.constant 0 : i32
      %dma_wait3A_124 = tpu.memref_slice %arg2[%dma_wait3A_122, %dma_wait3A_123] : memref<10000x64xi32, #tpu.memory_space<hbm>> -> memref<200x64xi32, #tpu.memory_space<hbm>>
      %dma_wait3A_125 = arith.constant 0 : i32
      %dma_wait3A_126 = arith.constant 0 : i32
      %dma_wait3A_127 = tpu.memref_slice %arg2[%dma_wait3A_125, %dma_wait3A_126] : memref<10000x64xi32, #tpu.memory_space<hbm>> -> memref<200x64xi32, #tpu.memory_space<hbm>>
      tpu.wait_dma2 semaphore(%arg18 : memref<!tpu.dma_semaphore, #tpu.memory_space<semaphore_mem>>) src(%dma_wait3A_127 : memref<200x64xi32, #tpu.memory_space<hbm>>) dst(%arg11 : memref<200x64xi32, #tpu.memory_space<vmem>>)
      %scan3A_128 = arith.constant 0 : i32
      %scan3A_129 = arith.constant 50 : i32
      %scan3A_130 = arith.addi %scan3A_128, %scan3A_129 : i32
      %scan3A_131 = arith.constant 1 : i32
      %scan3A_132:8 = scf.for %scan3A_141 = %scan3A_128 to %scan3A_130 step %scan3A_131 iter_args(%scan3A_142 = %scan3A_106#0, %scan3A_143 = %scan3A_106#1, %scan3A_144 = %scan3A_106#2, %scan3A_145 = %scan3A_106#3, %scan3A_146 = %scan3A_106#4, %scan3A_147 = %scan3A_106#5, %scan3A_148 = %scan3A_106#6, %scan3A_149 = %scan3A_106#7) -> (vector<16xf32>, vector<16xf32>, vector<16xf32>, vector<16xf32>, vector<16xf32>, vector<16xf32>, vector<16xf32>, vector<16xf32>)  : i32 {
        %mul3A_150 = arith.constant 4 : i32
        %mul3A_151 = arith.muli %mul3A_150, %scan3A_141 : i32
        %add3A_152 = arith.constant 0 : i32
        %add3A_153 = arith.addi %mul3A_151, %add3A_152 : i32
        %get3A_154 = arith.index_cast %add3A_153 : i32 to index
        %get3A_155 = arith.constant 0 : index
        %get3A_156 = tpu.vector_load %arg10[%get3A_154, %get3A_155] {strides = array<i32>} : memref<200x64xi32, #tpu.memory_space<vmem>>, vector<16xi32>,
        %mul3A_157 = arith.constant 4 : i32
        %mul3A_158 = arith.muli %mul3A_157, %scan3A_141 : i32
        %add3A_159 = arith.constant 0 : i32
        %add3A_160 = arith.addi %mul3A_158, %add3A_159 : i32
        %get3A_161 = arith.index_cast %add3A_160 : i32 to index
        %get3A_162 = arith.constant 0 : index
        %get3A_163 = tpu.vector_load %arg11[%get3A_161, %get3A_162] {strides = array<i32>} : memref<200x64xi32, #tpu.memory_space<vmem>>, vector<16xi32>,
        %bitcast3A = vector.bitcast %get3A_156 : vector<16xi32> to vector<32xbf16>
        %bitcast3A_164 = vector.bitcast %get3A_163 : vector<16xi32> to vector<32xbf16>
        %sub3A = arith.subf %bitcast3A, %bitcast3A_164 : vector<32xbf16>
        %mul3A_165 = arith.mulf %sub3A, %sub3A : vector<32xbf16>
        %unpack3A = tpu.unpack_subelements %mul3A_165, 0 {pack_format = #tpu.pack_format<interleaved>} : vector<32xbf16> -> vector<16xf32>
        %unpack3A_166 = tpu.unpack_subelements %mul3A_165, 1 {pack_format = #tpu.pack_format<interleaved>} : vector<32xbf16> -> vector<16xf32>
        %add3A_167 = arith.addf %scan3A_142, %unpack3A : vector<16xf32>
        %add3A_168 = arith.addf %scan3A_143, %unpack3A_166 : vector<16xf32>
        %mul3A_169 = arith.constant 4 : i32
        %mul3A_170 = arith.muli %mul3A_169, %scan3A_141 : i32
        %add3A_171 = arith.constant 0 : i32
        %add3A_172 = arith.addi %mul3A_170, %add3A_171 : i32
        %get3A_173 = arith.index_cast %add3A_172 : i32 to index
        %get3A_174 = arith.constant 16 : index
        %get3A_175 = tpu.vector_load %arg10[%get3A_173, %get3A_174] {strides = array<i32>} : memref<200x64xi32, #tpu.memory_space<vmem>>, vector<16xi32>,
        %mul3A_176 = arith.constant 4 : i32
        %mul3A_177 = arith.muli %mul3A_176, %scan3A_141 : i32
        %add3A_178 = arith.constant 0 : i32
        %add3A_179 = arith.addi %mul3A_177, %add3A_178 : i32
        %get3A_180 = arith.index_cast %add3A_179 : i32 to index
        %get3A_181 = arith.constant 16 : index
        %get3A_182 = tpu.vector_load %arg11[%get3A_180, %get3A_181] {strides = array<i32>} : memref<200x64xi32, #tpu.memory_space<vmem>>, vector<16xi32>,
        %bitcast3A_183 = vector.bitcast %get3A_175 : vector<16xi32> to vector<32xbf16>
        %bitcast3A_184 = vector.bitcast %get3A_182 : vector<16xi32> to vector<32xbf16>
        %sub3A_185 = arith.subf %bitcast3A_183, %bitcast3A_184 : vector<32xbf16>
        %mul3A_186 = arith.mulf %sub3A_185, %sub3A_185 : vector<32xbf16>
        %unpack3A_187 = tpu.unpack_subelements %mul3A_186, 0 {pack_format = #tpu.pack_format<interleaved>} : vector<32xbf16> -> vector<16xf32>
        %unpack3A_188 = tpu.unpack_subelements %mul3A_186, 1 {pack_format = #tpu.pack_format<interleaved>} : vector<32xbf16> -> vector<16xf32>
        %add3A_189 = arith.addf %scan3A_144, %unpack3A_187 : vector<16xf32>
        %add3A_190 = arith.addf %scan3A_145, %unpack3A_188 : vector<16xf32>
        %mul3A_191 = arith.constant 4 : i32
        %mul3A_192 = arith.muli %mul3A_191, %scan3A_141 : i32
        %add3A_193 = arith.constant 0 : i32
        %add3A_194 = arith.addi %mul3A_192, %add3A_193 : i32
        %get3A_195 = arith.index_cast %add3A_194 : i32 to index
        %get3A_196 = arith.constant 32 : index
        %get3A_197 = tpu.vector_load %arg10[%get3A_195, %get3A_196] {strides = array<i32>} : memref<200x64xi32, #tpu.memory_space<vmem>>, vector<16xi32>,
        %mul3A_198 = arith.constant 4 : i32
        %mul3A_199 = arith.muli %mul3A_198, %scan3A_141 : i32
        %add3A_200 = arith.constant 0 : i32
        %add3A_201 = arith.addi %mul3A_199, %add3A_200 : i32
        %get3A_202 = arith.index_cast %add3A_201 : i32 to index
        %get3A_203 = arith.constant 32 : index
        %get3A_204 = tpu.vector_load %arg11[%get3A_202, %get3A_203] {strides = array<i32>} : memref<200x64xi32, #tpu.memory_space<vmem>>, vector<16xi32>,
        %bitcast3A_205 = vector.bitcast %get3A_197 : vector<16xi32> to vector<32xbf16>
        %bitcast3A_206 = vector.bitcast %get3A_204 : vector<16xi32> to vector<32xbf16>
        %sub3A_207 = arith.subf %bitcast3A_205, %bitcast3A_206 : vector<32xbf16>
        %mul3A_208 = arith.mulf %sub3A_207, %sub3A_207 : vector<32xbf16>
        %unpack3A_209 = tpu.unpack_subelements %mul3A_208, 0 {pack_format = #tpu.pack_format<interleaved>} : vector<32xbf16> -> vector<16xf32>
        %unpack3A_210 = tpu.unpack_subelements %mul3A_208, 1 {pack_format = #tpu.pack_format<interleaved>} : vector<32xbf16> -> vector<16xf32>
        %add3A_211 = arith.addf %scan3A_146, %unpack3A_209 : vector<16xf32>
        %add3A_212 = arith.addf %scan3A_147, %unpack3A_210 : vector<16xf32>
        %mul3A_213 = arith.constant 4 : i32
        %mul3A_214 = arith.muli %mul3A_213, %scan3A_141 : i32
        %add3A_215 = arith.constant 0 : i32
        %add3A_216 = arith.addi %mul3A_214, %add3A_215 : i32
        %get3A_217 = arith.index_cast %add3A_216 : i32 to index
        %get3A_218 = arith.constant 48 : index
        %get3A_219 = tpu.vector_load %arg10[%get3A_217, %get3A_218] {strides = array<i32>} : memref<200x64xi32, #tpu.memory_space<vmem>>, vector<16xi32>,
        %mul3A_220 = arith.constant 4 : i32
        %mul3A_221 = arith.muli %mul3A_220, %scan3A_141 : i32
        %add3A_222 = arith.constant 0 : i32
        %add3A_223 = arith.addi %mul3A_221, %add3A_222 : i32
        %get3A_224 = arith.index_cast %add3A_223 : i32 to index
        %get3A_225 = arith.constant 48 : index
        %get3A_226 = tpu.vector_load %arg11[%get3A_224, %get3A_225] {strides = array<i32>} : memref<200x64xi32, #tpu.memory_space<vmem>>, vector<16xi32>,
        %bitcast3A_227 = vector.bitcast %get3A_219 : vector<16xi32> to vector<32xbf16>
        %bitcast3A_228 = vector.bitcast %get3A_226 : vector<16xi32> to vector<32xbf16>
        %sub3A_229 = arith.subf %bitcast3A_227, %bitcast3A_228 : vector<32xbf16>
        %mul3A_230 = arith.mulf %sub3A_229, %sub3A_229 : vector<32xbf16>
        %unpack3A_231 = tpu.unpack_subelements %mul3A_230, 0 {pack_format = #tpu.pack_format<interleaved>} : vector<32xbf16> -> vector<16xf32>
        %unpack3A_232 = tpu.unpack_subelements %mul3A_230, 1 {pack_format = #tpu.pack_format<interleaved>} : vector<32xbf16> -> vector<16xf32>
        %add3A_233 = arith.addf %scan3A_148, %unpack3A_231 : vector<16xf32>
        %add3A_234 = arith.addf %scan3A_149, %unpack3A_232 : vector<16xf32>
        %mul3A_235 = arith.constant 4 : i32
        %mul3A_236 = arith.muli %mul3A_235, %scan3A_141 : i32
        %add3A_237 = arith.constant 1 : i32
        %add3A_238 = arith.addi %mul3A_236, %add3A_237 : i32
        %get3A_239 = arith.index_cast %add3A_238 : i32 to index
        %get3A_240 = arith.constant 0 : index
        %get3A_241 = tpu.vector_load %arg10[%get3A_239, %get3A_240] {strides = array<i32>} : memref<200x64xi32, #tpu.memory_space<vmem>>, vector<16xi32>,
        %mul3A_242 = arith.constant 4 : i32
        %mul3A_243 = arith.muli %mul3A_242, %scan3A_141 : i32
        %add3A_244 = arith.constant 1 : i32
        %add3A_245 = arith.addi %mul3A_243, %add3A_244 : i32
        %get3A_246 = arith.index_cast %add3A_245 : i32 to index
        %get3A_247 = arith.constant 0 : index
        %get3A_248 = tpu.vector_load %arg11[%get3A_246, %get3A_247] {strides = array<i32>} : memref<200x64xi32, #tpu.memory_space<vmem>>, vector<16xi32>,
        %bitcast3A_249 = vector.bitcast %get3A_241 : vector<16xi32> to vector<32xbf16>
        %bitcast3A_250 = vector.bitcast %get3A_248 : vector<16xi32> to vector<32xbf16>
        %sub3A_251 = arith.subf %bitcast3A_249, %bitcast3A_250 : vector<32xbf16>
        %mul3A_252 = arith.mulf %sub3A_251, %sub3A_251 : vector<32xbf16>
        %unpack3A_253 = tpu.unpack_subelements %mul3A_252, 0 {pack_format = #tpu.pack_format<interleaved>} : vector<32xbf16> -> vector<16xf32>
        %unpack3A_254 = tpu.unpack_subelements %mul3A_252, 1 {pack_format = #tpu.pack_format<interleaved>} : vector<32xbf16> -> vector<16xf32>
        %add3A_255 = arith.addf %add3A_167, %unpack3A_253 : vector<16xf32>
        %add3A_256 = arith.addf %add3A_168, %unpack3A_254 : vector<16xf32>
        %mul3A_257 = arith.constant 4 : i32
        %mul3A_258 = arith.muli %mul3A_257, %scan3A_141 : i32
        %add3A_259 = arith.constant 1 : i32
        %add3A_260 = arith.addi %mul3A_258, %add3A_259 : i32
        %get3A_261 = arith.index_cast %add3A_260 : i32 to index
        %get3A_262 = arith.constant 16 : index
        %get3A_263 = tpu.vector_load %arg10[%get3A_261, %get3A_262] {strides = array<i32>} : memref<200x64xi32, #tpu.memory_space<vmem>>, vector<16xi32>,
        %mul3A_264 = arith.constant 4 : i32
        %mul3A_265 = arith.muli %mul3A_264, %scan3A_141 : i32
        %add3A_266 = arith.constant 1 : i32
        %add3A_267 = arith.addi %mul3A_265, %add3A_266 : i32
        %get3A_268 = arith.index_cast %add3A_267 : i32 to index
        %get3A_269 = arith.constant 16 : index
        %get3A_270 = tpu.vector_load %arg11[%get3A_268, %get3A_269] {strides = array<i32>} : memref<200x64xi32, #tpu.memory_space<vmem>>, vector<16xi32>,
        %bitcast3A_271 = vector.bitcast %get3A_263 : vector<16xi32> to vector<32xbf16>
        %bitcast3A_272 = vector.bitcast %get3A_270 : vector<16xi32> to vector<32xbf16>
        %sub3A_273 = arith.subf %bitcast3A_271, %bitcast3A_272 : vector<32xbf16>
        %mul3A_274 = arith.mulf %sub3A_273, %sub3A_273 : vector<32xbf16>
        %unpack3A_275 = tpu.unpack_subelements %mul3A_274, 0 {pack_format = #tpu.pack_format<interleaved>} : vector<32xbf16> -> vector<16xf32>
        %unpack3A_276 = tpu.unpack_subelements %mul3A_274, 1 {pack_format = #tpu.pack_format<interleaved>} : vector<32xbf16> -> vector<16xf32>
        %add3A_277 = arith.addf %add3A_189, %unpack3A_275 : vector<16xf32>
        %add3A_278 = arith.addf %add3A_190, %unpack3A_276 : vector<16xf32>
        %mul3A_279 = arith.constant 4 : i32
        %mul3A_280 = arith.muli %mul3A_279, %scan3A_141 : i32
        %add3A_281 = arith.constant 1 : i32
        %add3A_282 = arith.addi %mul3A_280, %add3A_281 : i32
        %get3A_283 = arith.index_cast %add3A_282 : i32 to index
        %get3A_284 = arith.constant 32 : index
        %get3A_285 = tpu.vector_load %arg10[%get3A_283, %get3A_284] {strides = array<i32>} : memref<200x64xi32, #tpu.memory_space<vmem>>, vector<16xi32>,
        %mul3A_286 = arith.constant 4 : i32
        %mul3A_287 = arith.muli %mul3A_286, %scan3A_141 : i32
        %add3A_288 = arith.constant 1 : i32
        %add3A_289 = arith.addi %mul3A_287, %add3A_288 : i32
        %get3A_290 = arith.index_cast %add3A_289 : i32 to index
        %get3A_291 = arith.constant 32 : index
        %get3A_292 = tpu.vector_load %arg11[%get3A_290, %get3A_291] {strides = array<i32>} : memref<200x64xi32, #tpu.memory_space<vmem>>, vector<16xi32>,
        %bitcast3A_293 = vector.bitcast %get3A_285 : vector<16xi32> to vector<32xbf16>
        %bitcast3A_294 = vector.bitcast %get3A_292 : vector<16xi32> to vector<32xbf16>
        %sub3A_295 = arith.subf %bitcast3A_293, %bitcast3A_294 : vector<32xbf16>
        %mul3A_296 = arith.mulf %sub3A_295, %sub3A_295 : vector<32xbf16>
        %unpack3A_297 = tpu.unpack_subelements %mul3A_296, 0 {pack_format = #tpu.pack_format<interleaved>} : vector<32xbf16> -> vector<16xf32>
        %unpack3A_298 = tpu.unpack_subelements %mul3A_296, 1 {pack_format = #tpu.pack_format<interleaved>} : vector<32xbf16> -> vector<16xf32>
        %add3A_299 = arith.addf %add3A_211, %unpack3A_297 : vector<16xf32>
        %add3A_300 = arith.addf %add3A_212, %unpack3A_298 : vector<16xf32>
        %mul3A_301 = arith.constant 4 : i32
        %mul3A_302 = arith.muli %mul3A_301, %scan3A_141 : i32
        %add3A_303 = arith.constant 1 : i32
        %add3A_304 = arith.addi %mul3A_302, %add3A_303 : i32
        %get3A_305 = arith.index_cast %add3A_304 : i32 to index
        %get3A_306 = arith.constant 48 : index
        %get3A_307 = tpu.vector_load %arg10[%get3A_305, %get3A_306] {strides = array<i32>} : memref<200x64xi32, #tpu.memory_space<vmem>>, vector<16xi32>,
        %mul3A_308 = arith.constant 4 : i32
        %mul3A_309 = arith.muli %mul3A_308, %scan3A_141 : i32
        %add3A_310 = arith.constant 1 : i32
        %add3A_311 = arith.addi %mul3A_309, %add3A_310 : i32
        %get3A_312 = arith.index_cast %add3A_311 : i32 to index
        %get3A_313 = arith.constant 48 : index
        %get3A_314 = tpu.vector_load %arg11[%get3A_312, %get3A_313] {strides = array<i32>} : memref<200x64xi32, #tpu.memory_space<vmem>>, vector<16xi32>,
        %bitcast3A_315 = vector.bitcast %get3A_307 : vector<16xi32> to vector<32xbf16>
        %bitcast3A_316 = vector.bitcast %get3A_314 : vector<16xi32> to vector<32xbf16>
        %sub3A_317 = arith.subf %bitcast3A_315, %bitcast3A_316 : vector<32xbf16>
        %mul3A_318 = arith.mulf %sub3A_317, %sub3A_317 : vector<32xbf16>
        %unpack3A_319 = tpu.unpack_subelements %mul3A_318, 0 {pack_format = #tpu.pack_format<interleaved>} : vector<32xbf16> -> vector<16xf32>
        %unpack3A_320 = tpu.unpack_subelements %mul3A_318, 1 {pack_format = #tpu.pack_format<interleaved>} : vector<32xbf16> -> vector<16xf32>
        %add3A_321 = arith.addf %add3A_233, %unpack3A_319 : vector<16xf32>
        %add3A_322 = arith.addf %add3A_234, %unpack3A_320 : vector<16xf32>
        %mul3A_323 = arith.constant 4 : i32
        %mul3A_324 = arith.muli %mul3A_323, %scan3A_141 : i32
        %add3A_325 = arith.constant 2 : i32
        %add3A_326 = arith.addi %mul3A_324, %add3A_325 : i32
        %get3A_327 = arith.index_cast %add3A_326 : i32 to index
        %get3A_328 = arith.constant 0 : index
        %get3A_329 = tpu.vector_load %arg10[%get3A_327, %get3A_328] {strides = array<i32>} : memref<200x64xi32, #tpu.memory_space<vmem>>, vector<16xi32>,
        %mul3A_330 = arith.constant 4 : i32
        %mul3A_331 = arith.muli %mul3A_330, %scan3A_141 : i32
        %add3A_332 = arith.constant 2 : i32
        %add3A_333 = arith.addi %mul3A_331, %add3A_332 : i32
        %get3A_334 = arith.index_cast %add3A_333 : i32 to index
        %get3A_335 = arith.constant 0 : index
        %get3A_336 = tpu.vector_load %arg11[%get3A_334, %get3A_335] {strides = array<i32>} : memref<200x64xi32, #tpu.memory_space<vmem>>, vector<16xi32>,
        %bitcast3A_337 = vector.bitcast %get3A_329 : vector<16xi32> to vector<32xbf16>
        %bitcast3A_338 = vector.bitcast %get3A_336 : vector<16xi32> to vector<32xbf16>
        %sub3A_339 = arith.subf %bitcast3A_337, %bitcast3A_338 : vector<32xbf16>
        %mul3A_340 = arith.mulf %sub3A_339, %sub3A_339 : vector<32xbf16>
        %unpack3A_341 = tpu.unpack_subelements %mul3A_340, 0 {pack_format = #tpu.pack_format<interleaved>} : vector<32xbf16> -> vector<16xf32>
        %unpack3A_342 = tpu.unpack_subelements %mul3A_340, 1 {pack_format = #tpu.pack_format<interleaved>} : vector<32xbf16> -> vector<16xf32>
        %add3A_343 = arith.addf %add3A_255, %unpack3A_341 : vector<16xf32>
        %add3A_344 = arith.addf %add3A_256, %unpack3A_342 : vector<16xf32>
        %mul3A_345 = arith.constant 4 : i32
        %mul3A_346 = arith.muli %mul3A_345, %scan3A_141 : i32
        %add3A_347 = arith.constant 2 : i32
        %add3A_348 = arith.addi %mul3A_346, %add3A_347 : i32
        %get3A_349 = arith.index_cast %add3A_348 : i32 to index
        %get3A_350 = arith.constant 16 : index
        %get3A_351 = tpu.vector_load %arg10[%get3A_349, %get3A_350] {strides = array<i32>} : memref<200x64xi32, #tpu.memory_space<vmem>>, vector<16xi32>,
        %mul3A_352 = arith.constant 4 : i32
        %mul3A_353 = arith.muli %mul3A_352, %scan3A_141 : i32
        %add3A_354 = arith.constant 2 : i32
        %add3A_355 = arith.addi %mul3A_353, %add3A_354 : i32
        %get3A_356 = arith.index_cast %add3A_355 : i32 to index
        %get3A_357 = arith.constant 16 : index
        %get3A_358 = tpu.vector_load %arg11[%get3A_356, %get3A_357] {strides = array<i32>} : memref<200x64xi32, #tpu.memory_space<vmem>>, vector<16xi32>,
        %bitcast3A_359 = vector.bitcast %get3A_351 : vector<16xi32> to vector<32xbf16>
        %bitcast3A_360 = vector.bitcast %get3A_358 : vector<16xi32> to vector<32xbf16>
        %sub3A_361 = arith.subf %bitcast3A_359, %bitcast3A_360 : vector<32xbf16>
        %mul3A_362 = arith.mulf %sub3A_361, %sub3A_361 : vector<32xbf16>
        %unpack3A_363 = tpu.unpack_subelements %mul3A_362, 0 {pack_format = #tpu.pack_format<interleaved>} : vector<32xbf16> -> vector<16xf32>
        %unpack3A_364 = tpu.unpack_subelements %mul3A_362, 1 {pack_format = #tpu.pack_format<interleaved>} : vector<32xbf16> -> vector<16xf32>
        %add3A_365 = arith.addf %add3A_277, %unpack3A_363 : vector<16xf32>
        %add3A_366 = arith.addf %add3A_278, %unpack3A_364 : vector<16xf32>
        %mul3A_367 = arith.constant 4 : i32
        %mul3A_368 = arith.muli %mul3A_367, %scan3A_141 : i32
        %add3A_369 = arith.constant 2 : i32
        %add3A_370 = arith.addi %mul3A_368, %add3A_369 : i32
        %get3A_371 = arith.index_cast %add3A_370 : i32 to index
        %get3A_372 = arith.constant 32 : index
        %get3A_373 = tpu.vector_load %arg10[%get3A_371, %get3A_372] {strides = array<i32>} : memref<200x64xi32, #tpu.memory_space<vmem>>, vector<16xi32>,
        %mul3A_374 = arith.constant 4 : i32
        %mul3A_375 = arith.muli %mul3A_374, %scan3A_141 : i32
        %add3A_376 = arith.constant 2 : i32
        %add3A_377 = arith.addi %mul3A_375, %add3A_376 : i32
        %get3A_378 = arith.index_cast %add3A_377 : i32 to index
        %get3A_379 = arith.constant 32 : index
        %get3A_380 = tpu.vector_load %arg11[%get3A_378, %get3A_379] {strides = array<i32>} : memref<200x64xi32, #tpu.memory_space<vmem>>, vector<16xi32>,
        %bitcast3A_381 = vector.bitcast %get3A_373 : vector<16xi32> to vector<32xbf16>
        %bitcast3A_382 = vector.bitcast %get3A_380 : vector<16xi32> to vector<32xbf16>
        %sub3A_383 = arith.subf %bitcast3A_381, %bitcast3A_382 : vector<32xbf16>
        %mul3A_384 = arith.mulf %sub3A_383, %sub3A_383 : vector<32xbf16>
        %unpack3A_385 = tpu.unpack_subelements %mul3A_384, 0 {pack_format = #tpu.pack_format<interleaved>} : vector<32xbf16> -> vector<16xf32>
        %unpack3A_386 = tpu.unpack_subelements %mul3A_384, 1 {pack_format = #tpu.pack_format<interleaved>} : vector<32xbf16> -> vector<16xf32>
        %add3A_387 = arith.addf %add3A_299, %unpack3A_385 : vector<16xf32>
        %add3A_388 = arith.addf %add3A_300, %unpack3A_386 : vector<16xf32>
        %mul3A_389 = arith.constant 4 : i32
        %mul3A_390 = arith.muli %mul3A_389, %scan3A_141 : i32
        %add3A_391 = arith.constant 2 : i32
        %add3A_392 = arith.addi %mul3A_390, %add3A_391 : i32
        %get3A_393 = arith.index_cast %add3A_392 : i32 to index
        %get3A_394 = arith.constant 48 : index
        %get3A_395 = tpu.vector_load %arg10[%get3A_393, %get3A_394] {strides = array<i32>} : memref<200x64xi32, #tpu.memory_space<vmem>>, vector<16xi32>,
        %mul3A_396 = arith.constant 4 : i32
        %mul3A_397 = arith.muli %mul3A_396, %scan3A_141 : i32
        %add3A_398 = arith.constant 2 : i32
        %add3A_399 = arith.addi %mul3A_397, %add3A_398 : i32
        %get3A_400 = arith.index_cast %add3A_399 : i32 to index
        %get3A_401 = arith.constant 48 : index
        %get3A_402 = tpu.vector_load %arg11[%get3A_400, %get3A_401] {strides = array<i32>} : memref<200x64xi32, #tpu.memory_space<vmem>>, vector<16xi32>,
        %bitcast3A_403 = vector.bitcast %get3A_395 : vector<16xi32> to vector<32xbf16>
        %bitcast3A_404 = vector.bitcast %get3A_402 : vector<16xi32> to vector<32xbf16>
        %sub3A_405 = arith.subf %bitcast3A_403, %bitcast3A_404 : vector<32xbf16>
        %mul3A_406 = arith.mulf %sub3A_405, %sub3A_405 : vector<32xbf16>
        %unpack3A_407 = tpu.unpack_subelements %mul3A_406, 0 {pack_format = #tpu.pack_format<interleaved>} : vector<32xbf16> -> vector<16xf32>
        %unpack3A_408 = tpu.unpack_subelements %mul3A_406, 1 {pack_format = #tpu.pack_format<interleaved>} : vector<32xbf16> -> vector<16xf32>
        %add3A_409 = arith.addf %add3A_321, %unpack3A_407 : vector<16xf32>
        %add3A_410 = arith.addf %add3A_322, %unpack3A_408 : vector<16xf32>
        %mul3A_411 = arith.constant 4 : i32
        %mul3A_412 = arith.muli %mul3A_411, %scan3A_141 : i32
        %add3A_413 = arith.constant 3 : i32
        %add3A_414 = arith.addi %mul3A_412, %add3A_413 : i32
        %get3A_415 = arith.index_cast %add3A_414 : i32 to index
        %get3A_416 = arith.constant 0 : index
        %get3A_417 = tpu.vector_load %arg10[%get3A_415, %get3A_416] {strides = array<i32>} : memref<200x64xi32, #tpu.memory_space<vmem>>, vector<16xi32>,
        %mul3A_418 = arith.constant 4 : i32
        %mul3A_419 = arith.muli %mul3A_418, %scan3A_141 : i32
        %add3A_420 = arith.constant 3 : i32
        %add3A_421 = arith.addi %mul3A_419, %add3A_420 : i32
        %get3A_422 = arith.index_cast %add3A_421 : i32 to index
        %get3A_423 = arith.constant 0 : index
        %get3A_424 = tpu.vector_load %arg11[%get3A_422, %get3A_423] {strides = array<i32>} : memref<200x64xi32, #tpu.memory_space<vmem>>, vector<16xi32>,
        %bitcast3A_425 = vector.bitcast %get3A_417 : vector<16xi32> to vector<32xbf16>
        %bitcast3A_426 = vector.bitcast %get3A_424 : vector<16xi32> to vector<32xbf16>
        %sub3A_427 = arith.subf %bitcast3A_425, %bitcast3A_426 : vector<32xbf16>
        %mul3A_428 = arith.mulf %sub3A_427, %sub3A_427 : vector<32xbf16>
        %unpack3A_429 = tpu.unpack_subelements %mul3A_428, 0 {pack_format = #tpu.pack_format<interleaved>} : vector<32xbf16> -> vector<16xf32>
        %unpack3A_430 = tpu.unpack_subelements %mul3A_428, 1 {pack_format = #tpu.pack_format<interleaved>} : vector<32xbf16> -> vector<16xf32>
        %add3A_431 = arith.addf %add3A_343, %unpack3A_429 : vector<16xf32>
        %add3A_432 = arith.addf %add3A_344, %unpack3A_430 : vector<16xf32>
        %mul3A_433 = arith.constant 4 : i32
        %mul3A_434 = arith.muli %mul3A_433, %scan3A_141 : i32
        %add3A_435 = arith.constant 3 : i32
        %add3A_436 = arith.addi %mul3A_434, %add3A_435 : i32
        %get3A_437 = arith.index_cast %add3A_436 : i32 to index
        %get3A_438 = arith.constant 16 : index
        %get3A_439 = tpu.vector_load %arg10[%get3A_437, %get3A_438] {strides = array<i32>} : memref<200x64xi32, #tpu.memory_space<vmem>>, vector<16xi32>,
        %mul3A_440 = arith.constant 4 : i32
        %mul3A_441 = arith.muli %mul3A_440, %scan3A_141 : i32
        %add3A_442 = arith.constant 3 : i32
        %add3A_443 = arith.addi %mul3A_441, %add3A_442 : i32
        %get3A_444 = arith.index_cast %add3A_443 : i32 to index
        %get3A_445 = arith.constant 16 : index
        %get3A_446 = tpu.vector_load %arg11[%get3A_444, %get3A_445] {strides = array<i32>} : memref<200x64xi32, #tpu.memory_space<vmem>>, vector<16xi32>,
        %bitcast3A_447 = vector.bitcast %get3A_439 : vector<16xi32> to vector<32xbf16>
        %bitcast3A_448 = vector.bitcast %get3A_446 : vector<16xi32> to vector<32xbf16>
        %sub3A_449 = arith.subf %bitcast3A_447, %bitcast3A_448 : vector<32xbf16>
        %mul3A_450 = arith.mulf %sub3A_449, %sub3A_449 : vector<32xbf16>
        %unpack3A_451 = tpu.unpack_subelements %mul3A_450, 0 {pack_format = #tpu.pack_format<interleaved>} : vector<32xbf16> -> vector<16xf32>
        %unpack3A_452 = tpu.unpack_subelements %mul3A_450, 1 {pack_format = #tpu.pack_format<interleaved>} : vector<32xbf16> -> vector<16xf32>
        %add3A_453 = arith.addf %add3A_365, %unpack3A_451 : vector<16xf32>
        %add3A_454 = arith.addf %add3A_366, %unpack3A_452 : vector<16xf32>
        %mul3A_455 = arith.constant 4 : i32
        %mul3A_456 = arith.muli %mul3A_455, %scan3A_141 : i32
        %add3A_457 = arith.constant 3 : i32
        %add3A_458 = arith.addi %mul3A_456, %add3A_457 : i32
        %get3A_459 = arith.index_cast %add3A_458 : i32 to index
        %get3A_460 = arith.constant 32 : index
        %get3A_461 = tpu.vector_load %arg10[%get3A_459, %get3A_460] {strides = array<i32>} : memref<200x64xi32, #tpu.memory_space<vmem>>, vector<16xi32>,
        %mul3A_462 = arith.constant 4 : i32
        %mul3A_463 = arith.muli %mul3A_462, %scan3A_141 : i32
        %add3A_464 = arith.constant 3 : i32
        %add3A_465 = arith.addi %mul3A_463, %add3A_464 : i32
        %get3A_466 = arith.index_cast %add3A_465 : i32 to index
        %get3A_467 = arith.constant 32 : index
        %get3A_468 = tpu.vector_load %arg11[%get3A_466, %get3A_467] {strides = array<i32>} : memref<200x64xi32, #tpu.memory_space<vmem>>, vector<16xi32>,
        %bitcast3A_469 = vector.bitcast %get3A_461 : vector<16xi32> to vector<32xbf16>
        %bitcast3A_470 = vector.bitcast %get3A_468 : vector<16xi32> to vector<32xbf16>
        %sub3A_471 = arith.subf %bitcast3A_469, %bitcast3A_470 : vector<32xbf16>
        %mul3A_472 = arith.mulf %sub3A_471, %sub3A_471 : vector<32xbf16>
        %unpack3A_473 = tpu.unpack_subelements %mul3A_472, 0 {pack_format = #tpu.pack_format<interleaved>} : vector<32xbf16> -> vector<16xf32>
        %unpack3A_474 = tpu.unpack_subelements %mul3A_472, 1 {pack_format = #tpu.pack_format<interleaved>} : vector<32xbf16> -> vector<16xf32>
        %add3A_475 = arith.addf %add3A_387, %unpack3A_473 : vector<16xf32>
        %add3A_476 = arith.addf %add3A_388, %unpack3A_474 : vector<16xf32>
        %mul3A_477 = arith.constant 4 : i32
        %mul3A_478 = arith.muli %mul3A_477, %scan3A_141 : i32
        %add3A_479 = arith.constant 3 : i32
        %add3A_480 = arith.addi %mul3A_478, %add3A_479 : i32
        %get3A_481 = arith.index_cast %add3A_480 : i32 to index
        %get3A_482 = arith.constant 48 : index
        %get3A_483 = tpu.vector_load %arg10[%get3A_481, %get3A_482] {strides = array<i32>} : memref<200x64xi32, #tpu.memory_space<vmem>>, vector<16xi32>,
        %mul3A_484 = arith.constant 4 : i32
        %mul3A_485 = arith.muli %mul3A_484, %scan3A_141 : i32
        %add3A_486 = arith.constant 3 : i32
        %add3A_487 = arith.addi %mul3A_485, %add3A_486 : i32
        %get3A_488 = arith.index_cast %add3A_487 : i32 to index
        %get3A_489 = arith.constant 48 : index
        %get3A_490 = tpu.vector_load %arg11[%get3A_488, %get3A_489] {strides = array<i32>} : memref<200x64xi32, #tpu.memory_space<vmem>>, vector<16xi32>,
        %bitcast3A_491 = vector.bitcast %get3A_483 : vector<16xi32> to vector<32xbf16>
        %bitcast3A_492 = vector.bitcast %get3A_490 : vector<16xi32> to vector<32xbf16>
        %sub3A_493 = arith.subf %bitcast3A_491, %bitcast3A_492 : vector<32xbf16>
        %mul3A_494 = arith.mulf %sub3A_493, %sub3A_493 : vector<32xbf16>
        %unpack3A_495 = tpu.unpack_subelements %mul3A_494, 0 {pack_format = #tpu.pack_format<interleaved>} : vector<32xbf16> -> vector<16xf32>
        %unpack3A_496 = tpu.unpack_subelements %mul3A_494, 1 {pack_format = #tpu.pack_format<interleaved>} : vector<32xbf16> -> vector<16xf32>
        %add3A_497 = arith.addf %add3A_409, %unpack3A_495 : vector<16xf32>
        %add3A_498 = arith.addf %add3A_410, %unpack3A_496 : vector<16xf32>
        scf.yield %add3A_431, %add3A_432, %add3A_453, %add3A_454, %add3A_475, %add3A_476, %add3A_497, %add3A_498 : vector<16xf32>, vector<16xf32>, vector<16xf32>, vector<16xf32>, vector<16xf32>, vector<16xf32>, vector<16xf32>, vector<16xf32>
      }
      %scan3A_133 = arith.constant 50 : i32
      %add3A_134 = arith.constant 2 : i32
      %add3A_135 = arith.addi %add3A_115, %add3A_134 : i32
      %lt3A_136 = arith.constant 50 : i32
      %lt3A_137 = arith.cmpi slt, %add3A_135, %lt3A_136 : i32
      %convert_element_type3A_138 = arith.extui %lt3A_137 : i1 to i32
      %cond3A_139 = arith.constant 0 : i32
      %cond3A_140 = arith.cmpi ne, %convert_element_type3A_138, %cond3A_139 : i32
      scf.if %cond3A_140 {
        %add3A_141 = arith.constant 2 : i32
        %add3A_142 = arith.addi %add3A_115, %add3A_141 : i32
        %mul3A_143 = arith.constant 200 : i32
        %mul3A_144 = arith.muli %add3A_142, %mul3A_143 : i32
        %dma_start3A_145 = tpu.memref_slice %arg6[%mul3A_144] : memref<10000xi32, #tpu.memory_space<vmem>> -> memref<200xi32, #tpu.memory_space<vmem>>
        %dma_start3A_146 = arith.constant 0 : i32
        %dma_start3A_147 = arith.constant 0 : i32
        %dma_start3A_148 = tpu.memref_slice %arg2[%dma_start3A_146, %dma_start3A_147] : memref<10000x64xi32, #tpu.memory_space<hbm>> -> memref<10000x64xi32, #tpu.memory_space<hbm>>
        tpu.enqueue_indirect_dma source(%dma_start3A_148 : memref<10000x64xi32, #tpu.memory_space<hbm>>) target(%arg10 : memref<200x64xi32, #tpu.memory_space<vmem>>) offsets(%dma_start3A_145 : memref<200xi32, #tpu.memory_space<vmem>>) semaphore(%arg17 : memref<!tpu.dma_semaphore, #tpu.memory_space<semaphore_mem>>)
        %mul3A_149 = arith.constant 200 : i32
        %mul3A_150 = arith.muli %add3A_142, %mul3A_149 : i32
        %dma_start3A_151 = tpu.memref_slice %arg7[%mul3A_150] : memref<10000xi32, #tpu.memory_space<vmem>> -> memref<200xi32, #tpu.memory_space<vmem>>
        %dma_start3A_152 = arith.constant 0 : i32
        %dma_start3A_153 = arith.constant 0 : i32
        %dma_start3A_154 = tpu.memref_slice %arg14[%dma_start3A_152, %dma_start3A_153] : memref<10000x64xi32, #tpu.memory_space<vmem_shared>> -> memref<10000x64xi32, #tpu.memory_space<vmem_shared>>
        tpu.enqueue_indirect_dma source(%dma_start3A_154 : memref<10000x64xi32, #tpu.memory_space<vmem_shared>>) target(%arg11 : memref<200x64xi32, #tpu.memory_space<vmem>>) offsets(%dma_start3A_151 : memref<200xi32, #tpu.memory_space<vmem>>) semaphore(%arg18 : memref<!tpu.dma_semaphore, #tpu.memory_space<semaphore_mem>>)
      } else {
      }
      scf.yield %scan3A_132#0, %scan3A_132#1, %scan3A_132#2, %scan3A_132#3, %scan3A_132#4, %scan3A_132#5, %scan3A_132#6, %scan3A_132#7 : vector<16xf32>, vector<16xf32>, vector<16xf32>, vector<16xf32>, vector<16xf32>, vector<16xf32>, vector<16xf32>, vector<16xf32>
    }
    %scan3A_46 = arith.constant 25 : i32
    %get3A = arith.constant 0 : index
    %get3A_47 = tpu.vector_load %arg12[%get3A] {strides = array<i32>} : memref<128xf32, #tpu.memory_space<vmem>>, vector<16xf32>,
    %mul3A_48 = arith.mulf %scan3A_45#0, %get3A_47 : vector<16xf32>
    %get3A_49 = arith.constant 16 : index
    %get3A_50 = tpu.vector_load %arg12[%get3A_49] {strides = array<i32>} : memref<128xf32, #tpu.memory_space<vmem>>, vector<16xf32>,
    %mul3A_51 = arith.mulf %scan3A_45#1, %get3A_50 : vector<16xf32>
    %add3A_52 = arith.addf %mul3A_48, %mul3A_51 : vector<16xf32>
    %get3A_53 = arith.constant 32 : index
    %get3A_54 = tpu.vector_load %arg12[%get3A_53] {strides = array<i32>} : memref<128xf32, #tpu.memory_space<vmem>>, vector<16xf32>,
    %mul3A_55 = arith.mulf %scan3A_45#2, %get3A_54 : vector<16xf32>
    %add3A_56 = arith.addf %add3A_52, %mul3A_55 : vector<16xf32>
    %get3A_57 = arith.constant 48 : index
    %get3A_58 = tpu.vector_load %arg12[%get3A_57] {strides = array<i32>} : memref<128xf32, #tpu.memory_space<vmem>>, vector<16xf32>,
    %mul3A_59 = arith.mulf %scan3A_45#3, %get3A_58 : vector<16xf32>
    %add3A_60 = arith.addf %add3A_56, %mul3A_59 : vector<16xf32>
    %get3A_61 = arith.constant 64 : index
    %get3A_62 = tpu.vector_load %arg12[%get3A_61] {strides = array<i32>} : memref<128xf32, #tpu.memory_space<vmem>>, vector<16xf32>,
    %mul3A_63 = arith.mulf %scan3A_45#4, %get3A_62 : vector<16xf32>
    %add3A_64 = arith.addf %add3A_60, %mul3A_63 : vector<16xf32>
    %get3A_65 = arith.constant 80 : index
    %get3A_66 = tpu.vector_load %arg12[%get3A_65] {strides = array<i32>} : memref<128xf32, #tpu.memory_space<vmem>>, vector<16xf32>,
    %mul3A_67 = arith.mulf %scan3A_45#5, %get3A_66 : vector<16xf32>
    %add3A_68 = arith.addf %add3A_64, %mul3A_67 : vector<16xf32>
    %get3A_69 = arith.constant 96 : index
    %get3A_70 = tpu.vector_load %arg12[%get3A_69] {strides = array<i32>} : memref<128xf32, #tpu.memory_space<vmem>>, vector<16xf32>,
    %mul3A_71 = arith.mulf %scan3A_45#6, %get3A_70 : vector<16xf32>
    %add3A_72 = arith.addf %add3A_68, %mul3A_71 : vector<16xf32>
    %get3A_73 = arith.constant 112 : index
    %get3A_74 = tpu.vector_load %arg12[%get3A_73] {strides = array<i32>} : memref<128xf32, #tpu.memory_space<vmem>>, vector<16xf32>,
    %mul3A_75 = arith.mulf %scan3A_45#7, %get3A_74 : vector<16xf32>
    %add3A_76 = arith.addf %add3A_72, %mul3A_75 : vector<16xf32>
    %swap3A = arith.constant 0 : index
    %swap3A_77 = tpu.vector_load %arg13[%swap3A] {strides = array<i32>} : memref<16xf32, #tpu.memory_space<vmem>>, vector<16xf32>,
    tpu.vector_store %arg13[%swap3A], %add3A_76 {strides = array<i32>} : memref<16xf32, #tpu.memory_space<vmem>>, vector<16xf32>,
    "tpu.region"() ({
      %run_scoped3A_78 = tpu.sem_alloc : memref<!tpu.dma_semaphore, #tpu.memory_space<semaphore_mem>>
      %dma_start3A_79 = arith.constant 0 : i32
      %dma_start3A_80 = tpu.memref_slice %arg5[%add3A, %dma_start3A_79] : memref<32x16xf32, #tpu.memory_space<hbm>> -> memref<1x16xf32, #tpu.memory_space<hbm>>
      %dma_start3A_81 = tpu.memref_squeeze %dma_start3A_80 : memref<1x16xf32, #tpu.memory_space<hbm>> -> memref<16xf32, #tpu.memory_space<hbm>>
      %dma_start3A_82 = arith.constant 0 : i32
      %dma_start3A_83 = tpu.memref_slice %arg5[%add3A, %dma_start3A_82] : memref<32x16xf32, #tpu.memory_space<hbm>> -> memref<1x16xf32, #tpu.memory_space<hbm>>
      %dma_start3A_84 = tpu.memref_squeeze %dma_start3A_83 : memref<1x16xf32, #tpu.memory_space<hbm>> -> memref<16xf32, #tpu.memory_space<hbm>>
      tpu.enqueue_dma source(%arg13 : memref<16xf32, #tpu.memory_space<vmem>>) target(%dma_start3A_84 : memref<16xf32, #tpu.memory_space<hbm>>) target_semaphore(%run_scoped3A_78 : memref<!tpu.dma_semaphore, #tpu.memory_space<semaphore_mem>>)
      %dma_wait3A = arith.constant 0 : i32
      %dma_wait3A_85 = tpu.memref_slice %arg5[%add3A, %dma_wait3A] : memref<32x16xf32, #tpu.memory_space<hbm>> -> memref<1x16xf32, #tpu.memory_space<hbm>>
      %dma_wait3A_86 = tpu.memref_squeeze %dma_wait3A_85 : memref<1x16xf32, #tpu.memory_space<hbm>> -> memref<16xf32, #tpu.memory_space<hbm>>
      %dma_wait3A_87 = arith.constant 0 : i32
      %dma_wait3A_88 = tpu.memref_slice %arg5[%add3A, %dma_wait3A_87] : memref<32x16xf32, #tpu.memory_space<hbm>> -> memref<1x16xf32, #tpu.memory_space<hbm>>
      %dma_wait3A_89 = tpu.memref_squeeze %dma_wait3A_88 : memref<1x16xf32, #tpu.memory_space<hbm>> -> memref<16xf32, #tpu.memory_space<hbm>>
      tpu.wait_dma2 semaphore(%run_scoped3A_78 : memref<!tpu.dma_semaphore, #tpu.memory_space<semaphore_mem>>) src(%arg13 : memref<16xf32, #tpu.memory_space<vmem>>) dst(%dma_wait3A_89 : memref<16xf32, #tpu.memory_space<hbm>>)
      tpu.yield
    }) : () -> ()
    return
  }
}

module attributes {stable_mosaic.version = 14 : i64} {
  func.func @_tc_finish_body(%arg0: memref<32x16xf32, #tpu.memory_space<vmem>>, %arg1: memref<32x16xf32, #tpu.memory_space<vmem>>, %arg2: memref<1x1xf32, #tpu.memory_space<vmem>>) attributes {dimension_semantics = [], scalar_prefetch = 0 : i64, scratch_operands = 0 : i64, tpu.core_type = #tpu.core_type<tc>} {
    %get3A = arith.constant 0 : index
    %get3A_0 = arith.constant 0 : index
    %get3A_1 = vector.load %arg0[%get3A, %get3A_0] : memref<32x16xf32, #tpu.memory_space<vmem>>, vector<32x16xf32>
    %reduce_sum3A = vector.shape_cast %get3A_1 : vector<32x16xf32> to vector<1x32x16xf32>
    %reduce_sum3A_2 = arith.constant dense<0.000000e+00> : vector<1xf32>
    %reduce_sum3A_3 = vector.multi_reduction <add>, %reduce_sum3A, %reduce_sum3A_2 [1, 2] : vector<1x32x16xf32> to vector<1xf32>
    %reduce_sum3A_4 = vector.shape_cast %reduce_sum3A_3 : vector<1xf32> to vector<1x1x1xf32>
    %reduce_sum3A_5 = vector.extract %reduce_sum3A_4[0, 0, 0] : f32 from vector<1x1x1xf32>
    %get3A_6 = arith.constant 0 : index
    %get3A_7 = arith.constant 0 : index
    %get3A_8 = vector.load %arg1[%get3A_6, %get3A_7] : memref<32x16xf32, #tpu.memory_space<vmem>>, vector<32x16xf32>
    %reduce_sum3A_9 = vector.shape_cast %get3A_8 : vector<32x16xf32> to vector<1x32x16xf32>
    %reduce_sum3A_10 = arith.constant dense<0.000000e+00> : vector<1xf32>
    %reduce_sum3A_11 = vector.multi_reduction <add>, %reduce_sum3A_9, %reduce_sum3A_10 [1, 2] : vector<1x32x16xf32> to vector<1xf32>
    %reduce_sum3A_12 = vector.shape_cast %reduce_sum3A_11 : vector<1xf32> to vector<1x1x1xf32>
    %reduce_sum3A_13 = vector.extract %reduce_sum3A_12[0, 0, 0] : f32 from vector<1x1x1xf32>
    %add3A = arith.addf %reduce_sum3A_5, %reduce_sum3A_13 : f32
    %reshape3A = vector.broadcast %add3A : f32 to vector<1x1xf32>
    %swap3A = arith.constant 0 : index
    %swap3A_14 = arith.constant 0 : index
    %swap3A_15 = vector.load %arg2[%swap3A, %swap3A_14] : memref<1x1xf32, #tpu.memory_space<vmem>>, vector<1x1xf32>
    tpu.vector_store %arg2[%swap3A, %swap3A_14], %reshape3A {strides = array<i32>} : memref<1x1xf32, #tpu.memory_space<vmem>>, vector<1x1xf32>,
    return
  }
}

</mosaic_0001>

<sc_bundles>
// kernel: kernel.5.cloned.1.call-start
scs
__scs_entry_jumppad:
0x0: {  	(pc) =	sbr.rel $0x88, $3  }
0x1: {  	(tag) =	ssettag $0x0;
	lr =	simm.s32 $0x1  }
0x2: {  	[smem:$0x3F9D] =	sst lr;
	_ =	strace $0xD0000000  }
0x3: {  	_ = 	snop  }
0x4: {  	_ = 	snop  }
0x5: {  	_ = 	snop  }
0x6: {  	_ = 	snop  }
0x7: {  	_ = 	snop  }
__scs_overlays_trampoline_lowered:
0x8: {  	[smem:$0x3FAC] =	sst s0  }
0x9: {  	[smem:$0x3FAD] =	sst s1  }
0xa: {  	[smem:$0x3FAE] =	sst s2  }
0xb: {  	[smem:$0x3FAF] =	sst s3  }
0xc: {  	[smem:$0x3FB0] =	sst s4  }
0xd: {  	[smem:$0x3FB1] =	sst s5  }
0xe: {  	[smem:$0x3FB2] =	sst s6  }
0xf: {  	[smem:$0x3FB3] =	sst s7  }
0x10: {  	[smem:$0x3FB4] =	sst s8  }
0x11: {  	[smem:$0x3FB5] =	sst s9;
	s0 =	simm.s32 @!p0 $0x0  }
0x12: {  	s1 =	sld [smem:$0x3F9B];
	s0 =	simm.s32 @p0 $0x1  }
0x13: {  	[smem:$0x3FB6] =	sst s0;
	s0 =	simm.s32 @!p1 $0x0  }
0x14: {  	s2 =	sld [smem:$0x3F9A];
	s0 =	simm.s32 @p1 $0x1  }
0x15: {  	[smem:$0x3FB7] =	sst s0;
	s0 =	simm.s32 @!p2 $0x0  }
0x16: {  	s3 =	sld [smem:$0x3FDB];
	s0 =	simm.s32 @p2 $0x1  }
0x17: {  	s4 =	simm.s32 $0x1BF5;
	[smem:$0x3FB9] =	sst s0  }
0x18: {  	s0 =	sld [smem:$0x3F9C];
	_ =	swait.ge [sflag:s4], $0x0  }
0x19: {  	s7 =	sld [smem:$0x3F9D]  }
0x1a: {  	s8 =	sadd.s32 $0xFFFFE003, lr  }
0x1b: {  	s9 =	sadd.s32 $0xFFFFFEF7, lr;
	s5 =	simm.s32 $0xFFFFFFFF;
	p2 =	slt.u32 s8, $0xFFFFF086  }
0x1c: {  	p1 =	slt.u32 s9, $0xF7A;
	s5 =	simm.s32 @!p2 $0x0  }
0x1d: {  	s5 =	simm.s32 @p1 $0x1;
	p0 =	seq.s32 s7, s2  }
0x1e: {  	s7 =	smul.u32 @!p0 $0xF7A, s2;
	p2 =	seq.s32 @!p0 s5, $0x0  }
0x1f: {  	s9 =	smul.u32 $0xF7A, s1;
	s8 =	simm.s32 @!p0 $0x1BF5;
	p2 =	por !p2, p0  }
0x20: {  	[sflag:s8] =	ssyncset.s32 @!p0 $0xFFFFF086;
	s6 =	sadd.s32 @!p0 s3, s7;
	s7 =	simm.s32 @!p0 $0x108  }
0x21: {  	s3 =	sadd.s32 s3, s9;
	s6 =	sadd.s32 @!p0 $0x88, s6;
	s7 =	simm.s32 @p2 $0x1082  }
0x22: {  	[simem:s7], [sflag:s8] =	dma.local @!p0 [hbm:s6], $0xF7A  }
0x23: {  	s9 =	sor.u32 $0xD0000000, s2;
	s6 =	simm.s32 $0x108;
	_ =	swait.ge @!p0 [sflag:s8], $0x0  }
0x24: {  	s3 =	sadd.s32 $0x88, s3;
	s6 =	simm.s32 @!p1 $0x1082;
	[sflag:s4] =	ssyncset.s32 $0xFFFFF086  }
0x25: {  	[simem:s6], [sflag:s4] =	dma.local [hbm:s3], $0xF7A  }
0x26: {  	[smem:$0x3F9D] =	sst s1;
	(tag) =	ssettag s2;
	_ =	strace s9  }
0x27: {  	s1 =	sld [smem:$0x3FAD]  }
0x28: {  	s2 =	sld [smem:$0x3FAE]  }
0x29: {  	s4 =	sld [smem:$0x3FB0]  }
0x2a: {  	p0 =	seq.s32 s5, $0x0;
	s5 =	sld [smem:$0x3FB1]  }
0x2b: {  	s6 =	sld [smem:$0x3FB2]  }
0x2c: {  	s7 =	sld [smem:$0x3FB3]  }
0x2d: {  	s3 =	simm.s32 $0x108;
	s8 =	sld [smem:$0x3FB4]  }
0x2e: {  	s3 =	simm.s32 @!p0 $0x1082;
	s9 =	sld [smem:$0x3FB5]  }
0x2f: {  	lr =	sadd.s32 s0, s3;
	s0 =	sld [smem:$0x3FAC]  }
0x30: {  	s3 =	sld [smem:$0x3FAF]  }
0x31: {  	[smem:$0x3FB8] =	sst s10  }
0x32: {  	s10 =	sld [smem:$0x3FB6];
	_ =	sdelay $0x3  }
0x33: {  	p0 =	seq.s32 s10, $0x1;
	s10 =	sld [smem:$0x3FB8];
	_ =	sdelay $0x3  }
0x34: {  	[smem:$0x3FB8] =	sst s10  }
0x35: {  	s10 =	sld [smem:$0x3FB7];
	_ =	sdelay $0x3  }
0x36: {  	p1 =	seq.s32 s10, $0x1;
	s10 =	sld [smem:$0x3FB8];
	_ =	sdelay $0x3  }
0x37: {  	[smem:$0x3FB8] =	sst s10  }
0x38: {  	s10 =	sld [smem:$0x3FB9]  }
0x39: {  	_ = 	snop;
	(pc) =	sbr.ind lr, $3  }
0x3a: {  	_ = 	snop  }
0x3b: {  	_ = 	snop  }
0x3c: {  	p2 =	seq.s32 s10, $0x1;
	s10 =	sld [smem:$0x3FB8]  }
0x3d: {  	_ =	shalt  }
0x3e: {  	_ =	shalt  }
0x3f: {  	_ =	shalt  }
0x40: {  	_ =	shalt  }
0x41: {  	_ =	shalt  }
0x42: {  	_ =	shalt  }
0x43: {  	_ =	shalt  }
0x44: {  	_ =	shalt  }
0x45: {  	_ =	shalt  }
0x46: {  	_ =	shalt  }
0x47: {  	_ =	shalt  }
0x48: {  	_ =	shalt  }
0x49: {  	_ =	shalt  }
0x4a: {  	_ =	shalt  }
0x4b: {  	_ =	shalt  }
0x4c: {  	_ =	shalt  }
0x4d: {  	_ =	shalt  }
0x4e: {  	_ =	shalt  }
0x4f: {  	_ =	shalt  }
0x50: {  	_ =	shalt  }
0x51: {  	_ =	shalt  }
0x52: {  	_ =	shalt  }
0x53: {  	_ =	shalt  }
0x54: {  	_ =	shalt  }
0x55: {  	_ =	shalt  }
0x56: {  	_ =	shalt  }
0x57: {  	_ =	shalt  }
0x58: {  	_ =	shalt  }
0x59: {  	_ =	shalt  }
0x5a: {  	_ =	shalt  }
0x5b: {  	_ =	shalt  }
0x5c: {  	_ =	shalt  }
0x5d: {  	_ =	shalt  }
0x5e: {  	_ =	shalt  }
0x5f: {  	_ =	shalt  }
0x60: {  	_ =	shalt  }
0x61: {  	_ =	shalt  }
0x62: {  	_ =	shalt  }
0x63: {  	_ =	shalt  }
0x64: {  	_ =	shalt  }
0x65: {  	_ =	shalt  }
0x66: {  	_ =	shalt  }
0x67: {  	_ =	shalt  }
0x68: {  	_ =	shalt  }
0x69: {  	_ =	shalt  }
0x6a: {  	_ =	shalt  }
0x6b: {  	_ =	shalt  }
0x6c: {  	_ =	shalt  }
0x6d: {  	_ =	shalt  }
0x6e: {  	_ =	shalt  }
0x6f: {  	_ =	shalt  }
0x70: {  	_ =	shalt  }
0x71: {  	_ =	shalt  }
0x72: {  	_ =	shalt  }
0x73: {  	_ =	shalt  }
0x74: {  	_ =	shalt  }
0x75: {  	_ =	shalt  }
0x76: {  	_ =	shalt  }
0x77: {  	_ =	shalt  }
0x78: {  	_ =	shalt  }
0x79: {  	_ =	shalt  }
0x7a: {  	_ =	shalt  }
0x7b: {  	_ =	shalt  }
0x7c: {  	_ =	shalt  }
0x7d: {  	_ =	shalt  }
0x7e: {  	_ =	shalt  }
0x7f: {  	_ =	shalt  }
0x80: {  	_ =	shalt  }
0x81: {  	_ =	shalt  }
0x82: {  	_ =	shalt  }
0x83: {  	_ =	shalt  }
0x84: {  	_ =	shalt  }
0x85: {  	_ =	shalt  }
0x86: {  	_ =	shalt  }
0x87: {  	_ =	shalt  }
.Lfunc_end0:
.L_simem_size_0:
called_computation_lowered:
.L_overlay_start_0:
0x88: {  	s2 =	sld [smem:$0x3FD9]  }
0x89: {  	s3 =	sld [smem:$0x3FFE];
	_ =	sdelay $0x1  }
0x8a: {  	s1 =	srdreg.scid  }
0x8b: {  	s0 =	sand.u32 $0x1, s1  }
0x8c: {  	s17 =	sshll.u32 s0, $0xA;
	s2 =	sadd.s32 s3, s2  }
0x8d: {  	s2 =	sadd.s32 s2, s17  }
0x8e: {  	[smem:$0x3FC4] =	sst s2  }
0x8f: {  	_ = 	snop  }
0x90: {  	s2 =	sld [smem:$0x3FC9]  }
0x91: {  	s18 =	sld [smem:$0x3FC6];
	(tm) =	ssettm $0x1  }
0x92: {  	s4 =	sld [smem:$0x3FFB];
	_ =	sdelay $0x3  }
0x93: {  	_ =	strace s4  }
0x94: {  	s4 =	sld [smem:$0x3FFC];
	_ =	sdelay $0x3  }
0x95: {  	_ =	strace s4  }
0x96: {  	s4 =	sld [smem:$0x3FFD];
	_ =	sdelay $0x3  }
0x97: {  	_ =	strace s4  }
0x98: {  	_ =	strace $0x8FFFFFFF  }
0x99: {  	s19 =	sld [smem:$0x3FDB];
	_ =	sdelay $0x1  }
0x9a: {  	s5 =	simm.s32 $_scs_section_size  }
0x9b: {  	s6 =	simm.s32 $_size__tile_overlayer_lowered;
	s7 =	simm.s32 $_tile_overlayer_lowered  }
0x9c: {  	s22 =	simm.s32 $0x1BFF;
	s21 =	sshll.u32 s7, $0x1;
	s4 =	sadd.s32 s5, s19  }
0x9d: {  	s8 =	simm.s32 $0x0;
	s20 =	sshll.u32 s6, $0x1;
	s6 =	sadd.s32 s21, s4  }
0x9e: {  	[timem:s8], [sflag:s22] =	dma.local [hbm:s6], s20  }
0x9f: {  	_ =	swait.ge [sflag:s22], s20  }
0xa0: {  	s5 =	ssub.s32 $0x0, s20;
	[sflag:s22] =	ssyncset.done $0x0  }
0xa1: {  	[sflag:s22] =	ssyncadd.s32 s5;
	_ =	sdelay $0x1  }
0xa2: {  	s23 =	simm.s32 $0x1B8B  }
0xa3: {  	_ =	swait.ge [sflag:s23], $0x1  }
0xa4: {  	[sflag:s23] =	ssyncset.done $0x0  }
0xa5: {  	s25 =	simm.s32 $0x1B8E;
	s24 =	sld [smem:$0x3FFE];
	[sflag:s23] =	ssyncadd.s32 $0xFFFFFFFF  }
0xa6: {  	s26 =	simm.s32 $execute0_lowered;
	[smem:$0x3FD2] =	sst s25  }
0xa7: {  	s6 =	sshll.u32 s26, $0x1;
	_ =	strace $0x80000046;
	[dreg:$0x1] =	wrdreg $0xFFFFFFFF  }
0xa8: {  	s28 =	simm.s32 $_size_execute0_lowered;
	s4 =	sadd.s32 s4, s6;
	[dreg:$0x0] =	wrdreg $0x0  }
0xa9: {  	s6 =	sshll.u32 s28, $0x1;
	[dreg:$0x2] =	wrdreg s4  }
0xaa: {  	[dreg:$0x3] =	wrdreg s6  }
0xab: {  	[dreg:$0x4] =	wrdreg $0xC0  }
0xac: {  	_ =	task [dreg:s8], $0x5FFFF  }
0xad: {  	[dreg:$0x1] =	wrdreg $0xFFFFFFFF  }
0xae: {  	[dreg:$0x0] =	wrdreg $0x60  }
0xaf: {  	[dreg:$0x2] =	wrdreg s2  }
0xb0: {  	[dreg:$0x3] =	wrdreg s24  }
0xb1: {  	[dreg:$0x4] =	wrdreg s18  }
0xb2: {  	[dreg:$0x5] =	wrdreg $0x9  }
0xb3: {  	_ =	task.clear_ibuf [dreg:s8], $0x6FFFF;
	_ =	strace $0x90000046  }
0xb4: {  	s29 =	simm.s32 $0x9;
	_ =	strace $0x80000048  }
0xb5: {  	_ =	swait.ge [sflag:s29], $0x1  }
0xb6: {  	[sflag:s29] =	ssyncadd.s32 $0xFFFFFFFF  }
0xb7: {  	_ =	strace $0x90000048  }
0xb8: {  	_ =	sfence  }
0xb9: {  	s30 =	sld [smem:$0x0];
	_ =	sdelay $0x2  }
0xba: {  	s31 =	sshll.u32 s1, $0xD;
	s1 =	sshrl.u32 s1, $0x2  }
0xbb: {  	s3 =	sand.u32 $0x4000, s31;
	s1 =	sadd.s32 s1, s30  }
0xbc: {  	s0 =	sor.u32 s3, s0;
	s1 =	sshll.u32 s1, $0x11  }
0xbd: {  	s0 =	sor.u32 s1, s0  }
0xbe: {  	s0 =	sadd.s32 $0x8F2B, s0  }
0xbf: {  	[sflag:s0] =	ssyncadd.remote.s32 $0x1  }
0xc0: {  	_ =	sfence.sel $0xFFFF  }
0xc1: {  	[dreg:$0x0] =	wrdreg $0xFFFFFFFF;
	(pc) =	sbr.abs _section_cstart, $3  }
0xc2: {  	[dreg:$0x1] =	wrdreg $0xFFFFFFFF  }
0xc3: {  	_ =	task.clear_ibuf [dreg:s8], $0x2FFFF;
	_ =	strace $0x9FFFFFFF  }
0xc4: {  	(tm) =	ssettm $0x7FFFFFFF  }
0xc5: {  	_ =	shalt  }
tec
execute0_lowered:
.L_overlay_start_1:
0x0: {  	(tag) =	ssettag $0x1  }
0x1: {  	s8 =	rddreg [dreg:$0x0]  }
0x2: {  	s10 =	rddreg [dreg:$0x1]  }
0x3: {  	s2 =	rddreg [dreg:$0x2]  }
0x4: {  	s0 =	rddreg [dreg:$0x3]  }
0x5: {  	s4 =	srdreg.scid;
	s1 =	stileid.u32  }
0x6: {  	s3 =	simm.s32 $0x0;
	s13 =	simm.s32 $0x1;
	s14 =	simm.s32 $0xF080  }
0x7: {  	s15 =	simm.s32 $0xA000;
	s5 =	sand.u32 $0x1, s4;
	s31 =	sshll.u32 s1, $0x1  }
0x8: {  	s16 =	simm.s32 $0xF100;
	s17 =	simm.s32 $0x0;
	s12 =	sor.u32 s5, s31  }
0x9: {  	[smem:$0x7FF] =	sst s3;
	s4 =	sadd.s32 $0x1200, s10;
	s6 =	smul.u32 $0xA00, s12  }
0xa: {  	_ =	strace $0x80000047;
	s5 =	ssub.s32 $0x2, s5;
	s9 =	smul.u32 $0x1400, s12  }
.Ltmp0:
0xb: {  	s7 =	sshll.u32 s12, $0x1;
	s11 =	sshrl.u32 s5, $0x1;
	(pc) =	sbr.rel .LBB2_1-.Ltmp0, $4  }
0xc: {  	p0 =	seq.s32 s12, $0x1F;
	s12 =	simm.s32 $0xF000;
	s7 =	sadd.s32 s7, s10  }
0xd: {  	s11 =	ssub.s32 s5, s11;
	s6 =	sadd.s32 s6, s10;
	s5 =	sadd.s32 s8, s9  }
0xe: {  	s7 =	sadd.s32 $0x1400, s7;
	s8 =	sadd.s32 $0x26C00, s8;
	s9 =	sadd.s32 $0x14C00, s10  }
0xf: {  	s10 =	sadd.s32 $0x143E, s10;
	s11 =	smax.u32 s11, $0x1;
	s6 =	sadd.s32 $0x1600, s6  }
.LBB2_7:
0x10: {  	v1 =	vadd.f32 v20, v17;
	_ =	sdelay $0x1  }
0x11: {  	v1 =	vadd.f32 v22, v1;
	_ =	sdelay $0x1  }
0x12: {  	v1 =	vadd.f32 v23, v1  }
0x13: {  	v0 =	vmul.f32 v24, v0  }
0x14: {  	v1 =	vadd.f32 v21, v1  }
0x15: {  	v0 =	vpack.i.f32.bf16 v0, v26  }
0x16: {  	v2 =	vmul.f32 v24, v2;
	v3 =	vadd.f32 v25, v16;
	[tilespmem:s19+$0xA030] =	vst v0;
	v0 =	vadd.f32 v18, v1  }
0x17: {  	[hbm4b:s9+s3] =	stream.linear.scatter [tilespmem:s15], [sflag:$0x1], $0x1400, $0x38;
	[tilespmem:$0xF110] =	vst v63  }
0x18: {  	_ =	swait.ge [sflag:s13], $0x1400;
	v1 =	vadd.f32 v2, v19;
	v0 =	vadd.f32 v3, v0  }
0x19: {  	[sflag:s13] =	ssyncset.done $0x0  }
0x1a: {  	s18 =	smov.u32 s10;
	[sflag:s13] =	ssyncadd.s32 $0xFFFFEC00;
	v0 =	vadd.f32 v1, v0  }
.LBB2_8:
0x1b: {  	s17 =	sadd.s32 $0x1, s17  }
0x1c: {  	p1 =	sne.s32 s17, s11  }
.Ltmp1:
0x1d: {  	[tilespmem:$0xF100] =	vst v0;
	(pc) =	sbr.rel @!p1 .LBB2_9-.Ltmp1, $4  }
0x1e: {  	[hbm4b:s18+s3] =	stream.linear.scatter [tilespmem:s16], [sflag:$0x1], $0x10, $0x38;
	[tilespmem:$0xF110] =	vst v63  }
0x1f: {  	_ =	swait.ge [sflag:s13], $0x10  }
0x20: {  	[sflag:s13] =	ssyncset.done $0x0  }
0x21: {  	[sflag:s13] =	ssyncadd.s32 $0xFFFFFFF0  }
.LBB2_1:
0x22: {  	[tilespmem:s12], [sflag:$0x1] =	stream.linear.gather [hbm4b:s4+s3], $0x80, $0x38;
	[tilespmem:$0xF110] =	vst v63  }
0x23: {  	_ =	swait.ge [sflag:s13], $0x80  }
0x24: {  	[sflag:s13] =	ssyncset.done $0x0  }
0x25: {  	[sflag:s13] =	ssyncadd.s32 $0xFFFFFF80  }
0x26: {  	[tilespmem:s14], [sflag:$0x1] =	stream.linear.gather [hbm4b:s2+s3], $0x80, $0x38;
	[tilespmem:$0xF110] =	vst v63  }
0x27: {  	_ =	swait.ge [sflag:s13], $0x80  }
0x28: {  	[sflag:s13] =	ssyncset.done $0x0  }
0x29: {  	[sflag:s13] =	ssyncadd.s32 $0xFFFFFF80  }
0x2a: {  	v1 =	vld [tilespmem:$0xF000]  }
0x2b: {  	v3 =	vld [tilespmem:$0xF010]  }
0x2c: {  	v4 =	vld [tilespmem:$0xF020]  }
0x2d: {  	v5 =	vld [tilespmem:$0xF030]  }
0x2e: {  	v6 =	vld [tilespmem:$0xF040]  }
0x2f: {  	v7 =	vld [tilespmem:$0xF050]  }
0x30: {  	v8 =	vld [tilespmem:$0xF060]  }
0x31: {  	v0 =	vld [tilespmem:$0xF070]  }
0x32: {  	v9 =	vld [tilespmem:$0xF080]  }
0x33: {  	v10 =	vld [tilespmem:$0xF090]  }
0x34: {  	v11 =	vld [tilespmem:$0xF0A0]  }
.Ltmp2:
0x35: {  	v12 =	vld [tilespmem:$0xF0B0];
	(pc) =	sbr.rel @!p0 .LBB2_2-.Ltmp2, $4  }
0x36: {  	v2 =	vld [tilespmem:$0xF0F0]  }
0x37: {  	v13 =	vld [tilespmem:$0xF0C0]  }
0x38: {  	v14 =	vld [tilespmem:$0xF0D0]  }
0x39: {  	s18 =	simm.s32 $0x0;
	v15 =	vld [tilespmem:$0xF0E0]  }
0x3a: {  	[tilespmem:s18], [sflag:$0x1] =	stream.linear.gather [hbm4b:s8+s18], $0x2800, $0x38;
	[tilespmem:$0xF110] =	vst v63  }
0x3b: {  	_ =	swait.ge [sflag:s13], $0x2800  }
0x3c: {  	[sflag:s13] =	ssyncset.done $0x0  }
0x3d: {  	s18 =	simm.s32 $0x40;
	[sflag:s13] =	ssyncadd.s32 $0xFFFFD800  }
0x3e: {  	v16 =	vld [tilespmem:s18+$0xFFFFFFC0]  }
0x3f: {  	v17 =	vld [tilespmem:s18+$0xFFFFFFD0];
	_ =	sdelay $0x4  }
0x40: {  	v18 =	vmul.f32 v16, v1;
	v19 =	vmul.f32 v17, v3;
	_ =	sdelay $0x1  }
0x41: {  	s19 =	simm.s32 $0x0;
	v18 =	vpack.i.f32.bf16 v19, v18  }
0x42: {  	[tilespmem:s19+$0xA000] =	vst v18  }
0x43: {  	v18 =	vld [tilespmem:s18+$0xFFFFFFE0]  }
0x44: {  	v19 =	vld [tilespmem:s18+$0xFFFFFFF0];
	_ =	sdelay $0x4  }
0x45: {  	v20 =	vmul.f32 v18, v4;
	v21 =	vmul.f32 v19, v5;
	_ =	sdelay $0x1  }
0x46: {  	v20 =	vpack.i.f32.bf16 v21, v20  }
0x47: {  	[tilespmem:s19+$0xA010] =	vst v20  }
0x48: {  	v21 =	vld [tilespmem:s18+$0x0]  }
0x49: {  	v22 =	vld [tilespmem:s18+$0x10];
	_ =	sdelay $0x4  }
0x4a: {  	v20 =	vmul.f32 v21, v6;
	v23 =	vmul.f32 v22, v7;
	_ =	sdelay $0x1  }
0x4b: {  	v20 =	vpack.i.f32.bf16 v23, v20  }
0x4c: {  	[tilespmem:s19+$0xA020] =	vst v20  }
0x4d: {  	v18 =	vmul.f32 v18, v11;
	v24 =	vmul.f32 v22, v14;
	v26 =	vld [tilespmem:s18+$0x20]  }
0x4e: {  	v21 =	vmul.f32 v21, v13;
	v23 =	vmul.f32 v16, v9;
	v16 =	vimm.f32 $0.0e+00  }
0x4f: {  	v19 =	vmul.f32 v19, v12;
	v22 =	vadd.f32 v18, v16;
	v18 =	vadd.f32 v24, v16;
	v24 =	vld [tilespmem:s18+$0x30]  }
0x50: {  	v20 =	vmul.f32 v17, v10;
	v21 =	vadd.f32 v21, v16  }
0x51: {  	v17 =	vadd.f32 v23, v16;
	v23 =	vadd.f32 v19, v16;
	v19 =	vimm.f32 $0.0e+00  }
0x52: {  	s20 =	simm.s32 $0x100;
	v20 =	vadd.f32 v20, v16;
	v25 =	vmul.f32 v26, v15;
	v26 =	vmul.f32 v26, v8  }
.LBB2_6:
0x53: {  	p1 =	sne.s32 s20, $0x4F00  }
0x54: {  	v27 =	vmul.f32 v24, v2;
	v24 =	vmul.f32 v24, v0;
	s18 =	sadd.s32 $0x80, s18;
	s21 =	smov.u32 s20;
	s20 =	sadd.s32 $0x100, s20  }
0x55: {  	v16 =	vadd.f32 v25, v16  }
0x56: {  	v19 =	vadd.f32 v27, v19;
	v24 =	vpack.i.f32.bf16 v24, v26  }
0x57: {  	[tilespmem:s19+$0xA030] =	vst v24  }
0x58: {  	v24 =	vld [tilespmem:s18+$0xFFFFFFC0]  }
0x59: {  	v25 =	vld [tilespmem:s18+$0xFFFFFFD0];
	_ =	sdelay $0x3  }
0x5a: {  	v26 =	vmul.f32 v24, v9  }
0x5b: {  	v24 =	vmul.f32 v24, v1;
	v27 =	vmul.f32 v25, v3  }
0x5c: {  	v25 =	vmul.f32 v25, v10;
	v17 =	vadd.f32 v26, v17  }
0x5d: {  	s19 =	sshra.s32 s21, $0x2;
	v24 =	vpack.i.f32.bf16 v27, v24  }
0x5e: {  	v20 =	vadd.f32 v25, v20;
	[tilespmem:s19+$0xA000] =	vst v24  }
0x5f: {  	v24 =	vld [tilespmem:s18+$0xFFFFFFE0]  }
0x60: {  	v25 =	vld [tilespmem:s18+$0xFFFFFFF0];
	_ =	sdelay $0x3  }
0x61: {  	v26 =	vmul.f32 v24, v11;
	v24 =	vmul.f32 v24, v4  }
0x62: {  	v27 =	vmul.f32 v25, v12;
	v25 =	vmul.f32 v25, v5  }
0x63: {  	v22 =	vadd.f32 v26, v22  }
0x64: {  	v23 =	vadd.f32 v27, v23;
	v24 =	vpack.i.f32.bf16 v25, v24  }
0x65: {  	[tilespmem:s19+$0xA010] =	vst v24  }
0x66: {  	v24 =	vld [tilespmem:s18+$0x0]  }
0x67: {  	v25 =	vld [tilespmem:s18+$0x10];
	_ =	sdelay $0x3  }
0x68: {  	v26 =	vmul.f32 v24, v13;
	v24 =	vmul.f32 v24, v6  }
0x69: {  	v27 =	vmul.f32 v25, v14;
	v25 =	vmul.f32 v25, v7  }
0x6a: {  	v21 =	vadd.f32 v26, v21  }
0x6b: {  	v18 =	vadd.f32 v27, v18;
	v24 =	vpack.i.f32.bf16 v25, v24  }
0x6c: {  	[tilespmem:s19+$0xA020] =	vst v24  }
0x6d: {  	v26 =	vld [tilespmem:s18+$0x20]  }
.Ltmp3:
0x6e: {  	v24 =	vld [tilespmem:s18+$0x30];
	(pc) =	sbr.rel @p1 .LBB2_6-.Ltmp3, $2  }
0x6f: {  	_ =	sdelay $0x2  }
0x70: {  	v25 =	vmul.f32 v26, v15;
	v26 =	vmul.f32 v26, v8  }
.Ltmp4:
0x71: {  	_ = 	snop;
	(pc) =	sbr.rel .LBB2_7-.Ltmp4, $1  }
0x72: {  	_ =	sdelay $0x3  }
.LBB2_2:
0x73: {  	[tilespmem:s18], [sflag:$0x1] =	stream.linear.gather [hbm4b:s5+s18], $0xA000, $0x38;
	[tilespmem:$0xF110] =	vst v63  }
0x74: {  	_ =	swait.ge [sflag:s13], $0xA000  }
0x75: {  	[sflag:s13] =	ssyncset.done $0x0  }
0x76: {  	s18 =	simm.s32 $0x40;
	[sflag:s13] =	ssyncadd.s32 $0xFFFF6000  }
0x77: {  	v16 =	vld [tilespmem:s18+$0xFFFFFFC0]  }
0x78: {  	v17 =	vld [tilespmem:s18+$0xFFFFFFD0];
	_ =	sdelay $0x4  }
0x79: {  	v18 =	vmul.f32 v16, v1;
	v19 =	vmul.f32 v17, v3;
	_ =	sdelay $0x1  }
0x7a: {  	s19 =	simm.s32 $0x0;
	v18 =	vpack.i.f32.bf16 v19, v18  }
0x7b: {  	[tilespmem:s19+$0xA000] =	vst v18  }
0x7c: {  	v18 =	vld [tilespmem:s18+$0xFFFFFFE0]  }
0x7d: {  	v19 =	vld [tilespmem:s18+$0xFFFFFFF0];
	_ =	sdelay $0x4  }
0x7e: {  	v20 =	vmul.f32 v18, v4;
	v21 =	vmul.f32 v19, v5;
	_ =	sdelay $0x1  }
0x7f: {  	v20 =	vpack.i.f32.bf16 v21, v20  }
0x80: {  	[tilespmem:s19+$0xA010] =	vst v20  }
0x81: {  	v21 =	vld [tilespmem:s18+$0x0]  }
0x82: {  	v22 =	vld [tilespmem:s18+$0x10];
	_ =	sdelay $0x4  }
0x83: {  	v20 =	vmul.f32 v21, v6;
	v23 =	vmul.f32 v22, v7;
	_ =	sdelay $0x1  }
0x84: {  	v20 =	vpack.i.f32.bf16 v23, v20  }
0x85: {  	[tilespmem:s19+$0xA020] =	vst v20  }
0x86: {  	v18 =	vmul.f32 v18, v11;
	v24 =	vmul.f32 v22, v14;
	v26 =	vld [tilespmem:s18+$0x20]  }
0x87: {  	v21 =	vmul.f32 v21, v13;
	v23 =	vmul.f32 v16, v9;
	v16 =	vimm.f32 $0.0e+00  }
0x88: {  	v19 =	vmul.f32 v19, v12;
	v22 =	vadd.f32 v18, v16;
	v18 =	vadd.f32 v24, v16;
	v24 =	vld [tilespmem:s18+$0x30]  }
0x89: {  	v20 =	vmul.f32 v17, v10;
	v21 =	vadd.f32 v21, v16  }
0x8a: {  	v17 =	vadd.f32 v23, v16;
	v23 =	vadd.f32 v19, v16;
	v19 =	vimm.f32 $0.0e+00  }
0x8b: {  	s20 =	simm.s32 $0x100;
	v20 =	vadd.f32 v20, v16;
	v25 =	vmul.f32 v26, v15;
	v26 =	vmul.f32 v26, v8  }
.LBB2_3:
0x8c: {  	p1 =	sne.s32 s20, $0x13F00  }
0x8d: {  	v27 =	vmul.f32 v24, v2;
	v24 =	vmul.f32 v24, v0;
	s18 =	sadd.s32 $0x80, s18;
	s21 =	smov.u32 s20;
	s20 =	sadd.s32 $0x100, s20  }
0x8e: {  	v16 =	vadd.f32 v25, v16  }
0x8f: {  	v19 =	vadd.f32 v27, v19;
	v24 =	vpack.i.f32.bf16 v24, v26  }
0x90: {  	[tilespmem:s19+$0xA030] =	vst v24  }
0x91: {  	v24 =	vld [tilespmem:s18+$0xFFFFFFC0]  }
0x92: {  	v25 =	vld [tilespmem:s18+$0xFFFFFFD0];
	_ =	sdelay $0x3  }
0x93: {  	v26 =	vmul.f32 v24, v9  }
0x94: {  	v24 =	vmul.f32 v24, v1;
	v27 =	vmul.f32 v25, v3  }
0x95: {  	v25 =	vmul.f32 v25, v10;
	v17 =	vadd.f32 v26, v17  }
0x96: {  	s19 =	sshra.s32 s21, $0x2;
	v24 =	vpack.i.f32.bf16 v27, v24  }
0x97: {  	v20 =	vadd.f32 v25, v20;
	[tilespmem:s19+$0xA000] =	vst v24  }
0x98: {  	v24 =	vld [tilespmem:s18+$0xFFFFFFE0]  }
0x99: {  	v25 =	vld [tilespmem:s18+$0xFFFFFFF0];
	_ =	sdelay $0x3  }
0x9a: {  	v26 =	vmul.f32 v24, v11;
	v24 =	vmul.f32 v24, v4  }
0x9b: {  	v27 =	vmul.f32 v25, v12;
	v25 =	vmul.f32 v25, v5  }
0x9c: {  	v22 =	vadd.f32 v26, v22  }
0x9d: {  	v23 =	vadd.f32 v27, v23;
	v24 =	vpack.i.f32.bf16 v25, v24  }
0x9e: {  	[tilespmem:s19+$0xA010] =	vst v24  }
0x9f: {  	v24 =	vld [tilespmem:s18+$0x0]  }
0xa0: {  	v25 =	vld [tilespmem:s18+$0x10];
	_ =	sdelay $0x3  }
0xa1: {  	v26 =	vmul.f32 v24, v13;
	v24 =	vmul.f32 v24, v6  }
0xa2: {  	v27 =	vmul.f32 v25, v14;
	v25 =	vmul.f32 v25, v7  }
0xa3: {  	v21 =	vadd.f32 v26, v21  }
0xa4: {  	v18 =	vadd.f32 v27, v18;
	v24 =	vpack.i.f32.bf16 v25, v24  }
0xa5: {  	[tilespmem:s19+$0xA020] =	vst v24  }
0xa6: {  	v26 =	vld [tilespmem:s18+$0x20]  }
.Ltmp5:
0xa7: {  	v24 =	vld [tilespmem:s18+$0x30];
	(pc) =	sbr.rel @p1 .LBB2_3-.Ltmp5, $2  }
0xa8: {  	_ =	sdelay $0x2  }
0xa9: {  	v25 =	vmul.f32 v26, v15;
	v26 =	vmul.f32 v26, v8  }
0xaa: {  	v1 =	vadd.f32 v20, v17;
	_ =	sdelay $0x1  }
0xab: {  	v1 =	vadd.f32 v22, v1;
	_ =	sdelay $0x1  }
0xac: {  	v1 =	vadd.f32 v23, v1  }
0xad: {  	v0 =	vmul.f32 v24, v0  }
0xae: {  	v1 =	vadd.f32 v21, v1  }
0xaf: {  	v0 =	vpack.i.f32.bf16 v0, v26  }
.Ltmp6:
0xb0: {  	v2 =	vmul.f32 v24, v2;
	v3 =	vadd.f32 v25, v16;
	[tilespmem:s19+$0xA030] =	vst v0;
	v0 =	vadd.f32 v18, v1;
	(pc) =	sbr.rel .LBB2_8-.Ltmp6, $4  }
0xb1: {  	[hbm4b:s6+s3] =	stream.linear.scatter [tilespmem:s15], [sflag:$0x1], $0x5000, $0x38;
	[tilespmem:$0xF110] =	vst v63  }
0xb2: {  	_ =	swait.ge [sflag:s13], $0x5000;
	v1 =	vadd.f32 v2, v19;
	v0 =	vadd.f32 v3, v0  }
0xb3: {  	[sflag:s13] =	ssyncset.done $0x0  }
0xb4: {  	s18 =	smov.u32 s7;
	[sflag:s13] =	ssyncadd.s32 $0xFFFFB000;
	v0 =	vadd.f32 v1, v0  }
.LBB2_9:
0xb5: {  	_ =	sfence.sel $0x180000  }
0xb6: {  	[bflag:$0x0] =	sbarrier.arrive $0xFFFF  }
0xb7: {  	p0 =	sne.s32 s1, $0x0;
	_ =	strace $0x90000047  }
0xb8: {  	s0 =	sadd.s32 @!p0 $0x100000, s0;
	[bflag:$0x2] =	sbarrier.arrive $0xFFFF  }
0xb9: {  	[sflag:s0] =	ssyncadd.tile.s32 @!p0 $0x1;
	_ =	shalt  }
.Lfunc_end2:
_tile_overlayer_lowered:
.L_overlay_start_2:
0xba: {  	(tag) =	ssettag $0x2  }
0xbb: {  	s0 =	rddreg [dreg:$0x0];
	s2 =	stileid.u32  }
0xbc: {  	s1 =	rddreg [dreg:$0x1];
	p0 =	sne.s32 s2, $0x0  }
0xbd: {  	s3 =	rddreg [dreg:$0x2];
	[bflag:$0x3] =	sbarrier.arrive $0xFFFF;
	s2 =	simm.s32 @!p0 $0x1C01  }
0xbe: {  	[timem:s3], [sflag:s2] =	dma.local @!p0 [hbm:s0], s1  }
0xbf: {  	s0 =	simm.s32 @!p0 $0x1  }
0xc0: {  	_ =	swait.ge @!p0 [sflag:s0], s1  }
0xc1: {  	s1 =	ssub.s32 @!p0 $0x0, s1;
	[sflag:s0] =	ssyncset.done @!p0 $0x0  }
0xc2: {  	[sflag:s0] =	ssyncadd.s32 @!p0 s1  }
0xc3: {  	[bflag:$0x3] =	sbarrier.arrive $0xFFFF  }
0xc4: {  	_ =	shalt  }

// kernel: kernel.8.cloned.1.call-start
scs
__scs_entry_jumppad:
0x0: {  	(pc) =	sbr.rel $0x88, $3  }
0x1: {  	(tag) =	ssettag $0x0;
	lr =	simm.s32 $0x1  }
0x2: {  	[smem:$0x3F9D] =	sst lr;
	_ =	strace $0xD0000000  }
0x3: {  	_ = 	snop  }
0x4: {  	_ = 	snop  }
0x5: {  	_ = 	snop  }
0x6: {  	_ = 	snop  }
0x7: {  	_ = 	snop  }
__scs_overlays_trampoline_lowered:
0x8: {  	[smem:$0x3FAC] =	sst s0  }
0x9: {  	[smem:$0x3FAD] =	sst s1  }
0xa: {  	[smem:$0x3FAE] =	sst s2  }
0xb: {  	[smem:$0x3FAF] =	sst s3  }
0xc: {  	[smem:$0x3FB0] =	sst s4  }
0xd: {  	[smem:$0x3FB1] =	sst s5  }
0xe: {  	[smem:$0x3FB2] =	sst s6  }
0xf: {  	[smem:$0x3FB3] =	sst s7  }
0x10: {  	[smem:$0x3FB4] =	sst s8  }
0x11: {  	[smem:$0x3FB5] =	sst s9;
	s0 =	simm.s32 @!p0 $0x0  }
0x12: {  	s1 =	sld [smem:$0x3F9B];
	s0 =	simm.s32 @p0 $0x1  }
0x13: {  	[smem:$0x3FB6] =	sst s0;
	s0 =	simm.s32 @!p1 $0x0  }
0x14: {  	s2 =	sld [smem:$0x3F9A];
	s0 =	simm.s32 @p1 $0x1  }
0x15: {  	[smem:$0x3FB7] =	sst s0;
	s0 =	simm.s32 @!p2 $0x0  }
0x16: {  	s3 =	sld [smem:$0x3FDB];
	s0 =	simm.s32 @p2 $0x1  }
0x17: {  	s4 =	simm.s32 $0x1BF5;
	[smem:$0x3FB9] =	sst s0  }
0x18: {  	s0 =	sld [smem:$0x3F9C];
	_ =	swait.ge [sflag:s4], $0x0  }
0x19: {  	s7 =	sld [smem:$0x3F9D]  }
0x1a: {  	s8 =	sadd.s32 $0xFFFFE003, lr  }
0x1b: {  	s9 =	sadd.s32 $0xFFFFFEF7, lr;
	s5 =	simm.s32 $0xFFFFFFFF;
	p2 =	slt.u32 s8, $0xFFFFF086  }
0x1c: {  	p1 =	slt.u32 s9, $0xF7A;
	s5 =	simm.s32 @!p2 $0x0  }
0x1d: {  	s5 =	simm.s32 @p1 $0x1;
	p0 =	seq.s32 s7, s2  }
0x1e: {  	s7 =	smul.u32 @!p0 $0xF7A, s2;
	p2 =	seq.s32 @!p0 s5, $0x0  }
0x1f: {  	s9 =	smul.u32 $0xF7A, s1;
	s8 =	simm.s32 @!p0 $0x1BF5;
	p2 =	por !p2, p0  }
0x20: {  	[sflag:s8] =	ssyncset.s32 @!p0 $0xFFFFF086;
	s6 =	sadd.s32 @!p0 s3, s7;
	s7 =	simm.s32 @!p0 $0x108  }
0x21: {  	s3 =	sadd.s32 s3, s9;
	s6 =	sadd.s32 @!p0 $0x88, s6;
	s7 =	simm.s32 @p2 $0x1082  }
0x22: {  	[simem:s7], [sflag:s8] =	dma.local @!p0 [hbm:s6], $0xF7A  }
0x23: {  	s9 =	sor.u32 $0xD0000000, s2;
	s6 =	simm.s32 $0x108;
	_ =	swait.ge @!p0 [sflag:s8], $0x0  }
0x24: {  	s3 =	sadd.s32 $0x88, s3;
	s6 =	simm.s32 @!p1 $0x1082;
	[sflag:s4] =	ssyncset.s32 $0xFFFFF086  }
0x25: {  	[simem:s6], [sflag:s4] =	dma.local [hbm:s3], $0xF7A  }
0x26: {  	[smem:$0x3F9D] =	sst s1;
	(tag) =	ssettag s2;
	_ =	strace s9  }
0x27: {  	s1 =	sld [smem:$0x3FAD]  }
0x28: {  	s2 =	sld [smem:$0x3FAE]  }
0x29: {  	s4 =	sld [smem:$0x3FB0]  }
0x2a: {  	p0 =	seq.s32 s5, $0x0;
	s5 =	sld [smem:$0x3FB1]  }
0x2b: {  	s6 =	sld [smem:$0x3FB2]  }
0x2c: {  	s7 =	sld [smem:$0x3FB3]  }
0x2d: {  	s3 =	simm.s32 $0x108;
	s8 =	sld [smem:$0x3FB4]  }
0x2e: {  	s3 =	simm.s32 @!p0 $0x1082;
	s9 =	sld [smem:$0x3FB5]  }
0x2f: {  	lr =	sadd.s32 s0, s3;
	s0 =	sld [smem:$0x3FAC]  }
0x30: {  	s3 =	sld [smem:$0x3FAF]  }
0x31: {  	[smem:$0x3FB8] =	sst s10  }
0x32: {  	s10 =	sld [smem:$0x3FB6];
	_ =	sdelay $0x3  }
0x33: {  	p0 =	seq.s32 s10, $0x1;
	s10 =	sld [smem:$0x3FB8];
	_ =	sdelay $0x3  }
0x34: {  	[smem:$0x3FB8] =	sst s10  }
0x35: {  	s10 =	sld [smem:$0x3FB7];
	_ =	sdelay $0x3  }
0x36: {  	p1 =	seq.s32 s10, $0x1;
	s10 =	sld [smem:$0x3FB8];
	_ =	sdelay $0x3  }
0x37: {  	[smem:$0x3FB8] =	sst s10  }
0x38: {  	s10 =	sld [smem:$0x3FB9]  }
0x39: {  	_ = 	snop;
	(pc) =	sbr.ind lr, $3  }
0x3a: {  	_ = 	snop  }
0x3b: {  	_ = 	snop  }
0x3c: {  	p2 =	seq.s32 s10, $0x1;
	s10 =	sld [smem:$0x3FB8]  }
0x3d: {  	_ =	shalt  }
0x3e: {  	_ =	shalt  }
0x3f: {  	_ =	shalt  }
0x40: {  	_ =	shalt  }
0x41: {  	_ =	shalt  }
0x42: {  	_ =	shalt  }
0x43: {  	_ =	shalt  }
0x44: {  	_ =	shalt  }
0x45: {  	_ =	shalt  }
0x46: {  	_ =	shalt  }
0x47: {  	_ =	shalt  }
0x48: {  	_ =	shalt  }
0x49: {  	_ =	shalt  }
0x4a: {  	_ =	shalt  }
0x4b: {  	_ =	shalt  }
0x4c: {  	_ =	shalt  }
0x4d: {  	_ =	shalt  }
0x4e: {  	_ =	shalt  }
0x4f: {  	_ =	shalt  }
0x50: {  	_ =	shalt  }
0x51: {  	_ =	shalt  }
0x52: {  	_ =	shalt  }
0x53: {  	_ =	shalt  }
0x54: {  	_ =	shalt  }
0x55: {  	_ =	shalt  }
0x56: {  	_ =	shalt  }
0x57: {  	_ =	shalt  }
0x58: {  	_ =	shalt  }
0x59: {  	_ =	shalt  }
0x5a: {  	_ =	shalt  }
0x5b: {  	_ =	shalt  }
0x5c: {  	_ =	shalt  }
0x5d: {  	_ =	shalt  }
0x5e: {  	_ =	shalt  }
0x5f: {  	_ =	shalt  }
0x60: {  	_ =	shalt  }
0x61: {  	_ =	shalt  }
0x62: {  	_ =	shalt  }
0x63: {  	_ =	shalt  }
0x64: {  	_ =	shalt  }
0x65: {  	_ =	shalt  }
0x66: {  	_ =	shalt  }
0x67: {  	_ =	shalt  }
0x68: {  	_ =	shalt  }
0x69: {  	_ =	shalt  }
0x6a: {  	_ =	shalt  }
0x6b: {  	_ =	shalt  }
0x6c: {  	_ =	shalt  }
0x6d: {  	_ =	shalt  }
0x6e: {  	_ =	shalt  }
0x6f: {  	_ =	shalt  }
0x70: {  	_ =	shalt  }
0x71: {  	_ =	shalt  }
0x72: {  	_ =	shalt  }
0x73: {  	_ =	shalt  }
0x74: {  	_ =	shalt  }
0x75: {  	_ =	shalt  }
0x76: {  	_ =	shalt  }
0x77: {  	_ =	shalt  }
0x78: {  	_ =	shalt  }
0x79: {  	_ =	shalt  }
0x7a: {  	_ =	shalt  }
0x7b: {  	_ =	shalt  }
0x7c: {  	_ =	shalt  }
0x7d: {  	_ =	shalt  }
0x7e: {  	_ =	shalt  }
0x7f: {  	_ =	shalt  }
0x80: {  	_ =	shalt  }
0x81: {  	_ =	shalt  }
0x82: {  	_ =	shalt  }
0x83: {  	_ =	shalt  }
0x84: {  	_ =	shalt  }
0x85: {  	_ =	shalt  }
0x86: {  	_ =	shalt  }
0x87: {  	_ =	shalt  }
.Lfunc_end0:
.L_simem_size_0:
called_computation.1_lowered:
.L_overlay_start_0:
0x88: {  	s2 =	sld [smem:$0x3FD9]  }
0x89: {  	s3 =	sld [smem:$0x3FFE];
	_ =	sdelay $0x1  }
0x8a: {  	s1 =	srdreg.scid  }
0x8b: {  	s0 =	sand.u32 $0x1, s1  }
0x8c: {  	s17 =	sshll.u32 s0, $0xA;
	s2 =	sadd.s32 s3, s2  }
0x8d: {  	s2 =	sadd.s32 s2, s17  }
0x8e: {  	[smem:$0x3FC4] =	sst s2  }
0x8f: {  	_ = 	snop  }
0x90: {  	s2 =	sld [smem:$0x3FD0];
	(tm) =	ssettm $0x1  }
0x91: {  	s18 =	sld [smem:$0x3FFB];
	_ =	sdelay $0x3  }
0x92: {  	_ =	strace s18  }
0x93: {  	s3 =	sld [smem:$0x3FFC];
	_ =	sdelay $0x3  }
0x94: {  	_ =	strace s3  }
0x95: {  	s3 =	sld [smem:$0x3FFD];
	_ =	sdelay $0x3  }
0x96: {  	_ =	strace s3  }
0x97: {  	_ =	strace $0x8FFFFFFF  }
0x98: {  	s19 =	sld [smem:$0x3FDB];
	_ =	sdelay $0x1  }
0x99: {  	s4 =	simm.s32 $_scs_section_size  }
0x9a: {  	s5 =	simm.s32 $_size__tile_overlayer_lowered;
	s6 =	simm.s32 $_tile_overlayer_lowered  }
0x9b: {  	s22 =	simm.s32 $0x1BFF;
	s21 =	sshll.u32 s6, $0x1;
	s3 =	sadd.s32 s4, s19  }
0x9c: {  	s7 =	simm.s32 $0x0;
	s20 =	sshll.u32 s5, $0x1;
	s5 =	sadd.s32 s21, s3  }
0x9d: {  	[timem:s7], [sflag:s22] =	dma.local [hbm:s5], s20  }
0x9e: {  	_ =	swait.ge [sflag:s22], s20  }
0x9f: {  	s4 =	ssub.s32 $0x0, s20;
	[sflag:s22] =	ssyncset.done $0x0  }
0xa0: {  	[sflag:s22] =	ssyncadd.s32 s4;
	_ =	sdelay $0x1  }
0xa1: {  	s23 =	simm.s32 $0x1B8B  }
0xa2: {  	_ =	swait.ge [sflag:s23], $0x1  }
0xa3: {  	[sflag:s23] =	ssyncset.done $0x0  }
0xa4: {  	s25 =	simm.s32 $0x1B8E;
	s24 =	sld [smem:$0x3FFE];
	[sflag:s23] =	ssyncadd.s32 $0xFFFFFFFF  }
0xa5: {  	s26 =	simm.s32 $execute0_lowered;
	[smem:$0x3FD2] =	sst s25  }
0xa6: {  	s5 =	sshll.u32 s26, $0x1;
	_ =	strace $0x80000049;
	[dreg:$0x1] =	wrdreg $0xFFFFFFFF  }
0xa7: {  	s28 =	simm.s32 $_size_execute0_lowered;
	s3 =	sadd.s32 s3, s5;
	[dreg:$0x0] =	wrdreg $0x0  }
0xa8: {  	s5 =	sshll.u32 s28, $0x1;
	[dreg:$0x2] =	wrdreg s3  }
0xa9: {  	[dreg:$0x3] =	wrdreg s5  }
0xaa: {  	[dreg:$0x4] =	wrdreg $0xC0  }
0xab: {  	_ =	task [dreg:s7], $0x5FFFF  }
0xac: {  	[dreg:$0x1] =	wrdreg $0xFFFFFFFF  }
0xad: {  	[dreg:$0x0] =	wrdreg $0x60  }
0xae: {  	[dreg:$0x2] =	wrdreg s24  }
0xaf: {  	[dreg:$0x3] =	wrdreg s2  }
0xb0: {  	[dreg:$0x4] =	wrdreg $0x116B00  }
0xb1: {  	[dreg:$0x5] =	wrdreg $0x9  }
0xb2: {  	_ =	task.clear_ibuf [dreg:s7], $0x6FFFF;
	_ =	strace $0x90000049  }
0xb3: {  	s29 =	simm.s32 $0x9;
	_ =	strace $0x8000004B  }
0xb4: {  	_ =	swait.ge [sflag:s29], $0x1  }
0xb5: {  	[sflag:s29] =	ssyncadd.s32 $0xFFFFFFFF  }
0xb6: {  	_ =	strace $0x9000004B  }
0xb7: {  	_ =	sfence  }
0xb8: {  	s30 =	sld [smem:$0x0];
	_ =	sdelay $0x2  }
0xb9: {  	s31 =	sshll.u32 s1, $0xD;
	s1 =	sshrl.u32 s1, $0x2  }
0xba: {  	s3 =	sand.u32 $0x4000, s31;
	s1 =	sadd.s32 s1, s30  }
0xbb: {  	s0 =	sor.u32 s3, s0;
	s1 =	sshll.u32 s1, $0x11  }
0xbc: {  	s0 =	sor.u32 s1, s0  }
0xbd: {  	s0 =	sadd.s32 $0x8F2B, s0  }
0xbe: {  	[sflag:s0] =	ssyncadd.remote.s32 $0x1  }
0xbf: {  	_ =	sfence.sel $0xFFFF  }
0xc0: {  	[dreg:$0x0] =	wrdreg $0xFFFFFFFF;
	(pc) =	sbr.abs _section_cstart, $3  }
0xc1: {  	[dreg:$0x1] =	wrdreg $0xFFFFFFFF  }
0xc2: {  	_ =	task.clear_ibuf [dreg:s7], $0x2FFFF;
	_ =	strace $0x9FFFFFFF  }
0xc3: {  	(tm) =	ssettm $0x7FFFFFFF  }
tec
execute0_lowered:
.L_overlay_start_1:
0x0: {  	(tag) =	ssettag $0x1  }
0x1: {  	s6 =	rddreg [dreg:$0x0]  }
0x2: {  	s2 =	rddreg [dreg:$0x1];
	s1 =	srdreg.scid  }
0x3: {  	s0 =	stileid.u32;
	s3 =	rddreg [dreg:$0x2]  }
0x4: {  	s4 =	simm.s32 $0x0;
	s14 =	simm.s32 $0x2710;
	s15 =	simm.s32 $0x11620  }
0x5: {  	s16 =	simm.s32 $0xC8;
	s17 =	simm.s32 $0x4E20;
	s18 =	simm.s32 $0x8020  }
0x6: {  	s19 =	simm.s32 $0xB220;
	s20 =	simm.s32 $0x27D8;
	s21 =	simm.s32 $0xE420  }
0x7: {  	s22 =	simm.s32 $0x1;
	s23 =	simm.s32 $0x2;
	s24 =	simm.s32 $0x3  }
0x8: {  	s25 =	simm.s32 $0x4;
	s26 =	simm.s32 $0x116A0;
	s28 =	simm.s32 $0x0  }
0x9: {  	s7 =	sand.u32 $0x1, s1;
	s5 =	sshll.u32 s0, $0x1;
	[smem:$0x7FF] =	sst s4  }
0xa: {  	s10 =	smul.u32 $0x9C40, s0;
	s31 =	sshll.u32 s0, $0x6;
	s8 =	sor.u32 s7, s5  }
0xb: {  	_ =	strace $0x8000004A;
	s5 =	sadd.s32 $0x1600, s6;
	s7 =	ssub.s32 $0x2, s7  }
0xc: {  	s9 =	smul.u32 $0x2710, s8;
	s8 =	sshll.u32 s8, $0x1;
	s11 =	sshrl.u32 s7, $0x1  }
.Ltmp0:
0xd: {  	s30 =	sshrl.u32 s10, $0x3;
	s13 =	sadd.s32 s10, s3;
	(pc) =	sbr.rel .LBB2_1-.Ltmp0, $4  }
0xe: {  	s12 =	sadd.s32 s8, s6;
	s11 =	ssub.s32 s7, s11;
	s7 =	sor.u32 $0x1C05, s31  }
0xf: {  	s9 =	sshrl.u32 s9, $0x3;
	s10 =	sadd.s32 $0x28A00, s12;
	s11 =	smax.u32 s11, $0x1  }
0x10: {  	s12 =	sshrl.u32 s13, $0x3;
	s13 =	simm.s32 $0x5;
	s9 =	sadd.s32 s9, s6  }
0x11: {  	s6 =	sadd.s32 s5, s30;
	s8 =	sadd.s32 $0x15000, s9;
	s9 =	sadd.s32 $0x1EC40, s9  }
.LBB2_8:
0x12: {  	v4 =	vld [tilespmem:$0x11620]  }
0x13: {  	v5 =	vld [tilespmem:$0x11630];
	_ =	sdelay $0x1  }
0x14: {  	v10 =	vld [tilespmem:$0x11640];
	_ =	sdelay $0x1  }
0x15: {  	v11 =	vld [tilespmem:$0x11650]  }
0x16: {  	v4 =	vmul.f32 v4, v6;
	v5 =	vmul.f32 v5, v8  }
0x17: {  	v58 =	vld [tilespmem:$0x11660]  }
0x18: {  	v3 =	vmul.f32 v10, v3;
	v4 =	vadd.f32 v5, v4  }
0x19: {  	v59 =	vld [tilespmem:$0x11670]  }
0x1a: {  	v1 =	vmul.f32 v11, v1;
	v3 =	vadd.f32 v3, v4  }
0x1b: {  	v60 =	vld [tilespmem:$0x11680]  }
0x1c: {  	v2 =	vmul.f32 v58, v2;
	v1 =	vadd.f32 v1, v3  }
0x1d: {  	v61 =	vld [tilespmem:$0x11690]  }
0x1e: {  	v0 =	vmul.f32 v59, v0;
	v1 =	vadd.f32 v2, v1;
	_ =	sdelay $0x1  }
0x1f: {  	v62 =	vmul.f32 v60, v9;
	v0 =	vadd.f32 v0, v1;
	_ =	sdelay $0x1  }
0x20: {  	v63 =	vmul.f32 v61, v7;
	v0 =	vadd.f32 v62, v0;
	_ =	sdelay $0x1  }
0x21: {  	s28 =	sadd.s32 $0x1, s28;
	v0 =	vadd.f32 v63, v0  }
0x22: {  	p0 =	sne.s32 s28, s11  }
.Ltmp1:
0x23: {  	[tilespmem:$0x116A0] =	vst v0;
	(pc) =	sbr.rel @!p0 .LBB2_9-.Ltmp1, $4  }
0x24: {  	[hbm4b:s10+s4] =	stream.linear.scatter [tilespmem:s26], [sflag:$0x5], $0x10, $0x38;
	[tilespmem:$0x1B2F0] =	vst v63  }
0x25: {  	_ =	swait.ge [sflag:s13], $0x10  }
0x26: {  	[sflag:s13] =	ssyncset.done $0x0  }
0x27: {  	[sflag:s13] =	ssyncadd.s32 $0xFFFFFFF0  }
.LBB2_1:
0x28: {  	[spmem:s12], [sflag:s7] =	dma.local [hbm:s6], $0x1388  }
0x29: {  	_ =	swait.ge [sflag:s13], $0x1388  }
0x2a: {  	[sflag:s13] =	ssyncset.done $0x0  }
0x2b: {  	[sflag:s13] =	ssyncadd.s32 $0xFFFFEC78  }
0x2c: {  	[tilespmem:s4], [sflag:$0x5] =	stream.linear.gather [hbm4b:s8+s4], $0x2710, $0x38;
	[tilespmem:$0x1B2F0] =	vst v63  }
0x2d: {  	_ =	swait.ge [sflag:s13], $0x2710  }
0x2e: {  	[sflag:s13] =	ssyncset.done $0x0  }
0x2f: {  	[sflag:s13] =	ssyncadd.s32 $0xFFFFD8F0  }
0x30: {  	[tilespmem:s14], [sflag:$0x5] =	stream.linear.gather [hbm4b:s9+s4], $0x2710, $0x38;
	[tilespmem:$0x1B2F0] =	vst v63  }
0x31: {  	_ =	swait.ge [sflag:s13], $0x2710  }
0x32: {  	[sflag:s13] =	ssyncset.done $0x0  }
0x33: {  	[sflag:s13] =	ssyncadd.s32 $0xFFFFD8F0  }
0x34: {  	[tilespmem:s15], [sflag:$0x5] =	stream.linear.gather [hbm4b:s2+s4], $0x80, $0x38;
	[tilespmem:$0x1B2F0] =	vst v63  }
0x35: {  	_ =	swait.ge [sflag:s13], $0x80  }
0x36: {  	[sflag:s13] =	ssyncset.done $0x0  }
0x37: {  	[sflag:s13] =	ssyncadd.s32 $0xFFFFFF80  }
0x38: {  	[bflag:$0x0] =	sbarrier.arrive $0xFFFF  }
0x39: {  	[tilespmem:s17], [sflag:$0x1] =	stream.indirect.gather [hbm4b:s5+s16], $0x40, s4, s16, $0xb8;
	[tilespmem:$0x1B2F0] =	vst v63  }
0x3a: {  	_ = 	snop  }
0x3b: {  	[tilespmem:s18], [sflag:$0x2] =	stream.indirect.gather [spmem:s3], $0x40, s14, s16, $0xb8;
	[tilespmem:$0x1B2F0] =	vst v63  }
0x3c: {  	_ = 	snop  }
0x3d: {  	v7 =	vimm.f32 $0.0e+00;
	v9 =	vimm.f32 $0.0e+00;
	[tilespmem:s19], [sflag:$0x3] =	stream.indirect.gather [hbm4b:s5+s16], $0x40, s16, s16, $0xb8;
	[tilespmem:$0x1B2F0] =	vst v63  }
0x3e: {  	v0 =	vimm.f32 $0.0e+00;
	v2 =	vimm.f32 $0.0e+00;
	v1 =	vimm.f32 $0.0e+00;
	s29 =	simm.s32 $0x0  }
0x3f: {  	v3 =	vimm.f32 $0.0e+00;
	v8 =	vimm.f32 $0.0e+00;
	v6 =	vimm.f32 $0.0e+00;
	[tilespmem:s21], [sflag:$0x4] =	stream.indirect.gather [spmem:s3], $0x40, s20, s16, $0xb8;
	[tilespmem:$0x1B2F0] =	vst v63  }
.LBB2_2:
0x40: {  	_ =	swait.ge [sflag:s22], $0x3200  }
0x41: {  	[sflag:s22] =	ssyncset.done $0x0  }
0x42: {  	[sflag:s22] =	ssyncadd.s32 $0xFFFFCE00  }
0x43: {  	_ =	swait.ge [sflag:s23], $0x3200  }
0x44: {  	[sflag:s23] =	ssyncset.done $0x0  }
0x45: {  	s31 =	simm.s32 $0x0;
	[sflag:s23] =	ssyncadd.s32 $0xFFFFCE00  }
0x46: {  	v17 =	vld [tilespmem:s31+$0x80D0]  }
0x47: {  	v18 =	vld [tilespmem:s31+$0x4ED0]  }
0x48: {  	v4 =	vld [tilespmem:s31+$0x80C0]  }
0x49: {  	v5 =	vld [tilespmem:s31+$0x4E90]  }
0x4a: {  	v10 =	vld [tilespmem:s31+$0x8090]  }
0x4b: {  	v11 =	vld [tilespmem:s31+$0x80B0]  }
0x4c: {  	v12 =	vld [tilespmem:s31+$0x4E50]  }
0x4d: {  	v13 =	vld [tilespmem:s31+$0x4EB0]  }
0x4e: {  	v15 =	vld [tilespmem:s31+$0x8050]  }
0x4f: {  	v16 =	vld [tilespmem:s31+$0x8070]  }
0x50: {  	v19 =	vld [tilespmem:s31+$0x4EA0]  }
0x51: {  	v20 =	vld [tilespmem:s31+$0x4E70]  }
0x52: {  	v21 =	vld [tilespmem:s31+$0x80A0]  }
0x53: {  	v22 =	vld [tilespmem:s31+$0x8080]  }
0x54: {  	v23 =	vld [tilespmem:s31+$0x4E60]  }
0x55: {  	v14 =	vld [tilespmem:s31+$0x4E40]  }
0x56: {  	v24 =	vld [tilespmem:s31+$0x8060]  }
0x57: {  	v25 =	vld [tilespmem:s31+$0x4E80]  }
0x58: {  	v26 =	vld [tilespmem:s31+$0x4E20]  }
0x59: {  	v27 =	vld [tilespmem:s31+$0x8020];
	v12 =	vsub.bf16 v12, v15  }
0x5a: {  	v33 =	vld [tilespmem:s31+$0x80E0];
	v28 =	vsub.bf16 v13, v11;
	v11 =	vsub.bf16 v19, v21  }
0x5b: {  	v13 =	vld [tilespmem:s31+$0x8030];
	v16 =	vsub.bf16 v20, v16;
	v10 =	vsub.bf16 v5, v10  }
0x5c: {  	v19 =	vld [tilespmem:s31+$0x4E30];
	v22 =	vsub.bf16 v25, v22;
	v29 =	vmul.bf16 v12, v12;
	v12 =	vsub.bf16 v23, v24  }
0x5d: {  	v20 =	vld [tilespmem:s31+$0x8040];
	v18 =	vsub.bf16 v18, v17;
	v5 =	vmul.bf16 v11, v11;
	v16 =	vmul.bf16 v16, v16  }
0x5e: {  	v21 =	vld [tilespmem:s31+$0x8110];
	v31 =	vmul.bf16 v10, v10;
	v11 =	vunpack.i.l.bf16.f32 v29;
	v15 =	vmul.bf16 v12, v12  }
0x5f: {  	v25 =	vld [tilespmem:s31+$0x4F00];
	v12 =	vmul.bf16 v22, v22;
	v24 =	vunpack.i.u.bf16.f32 v29;
	v22 =	vsub.bf16 v26, v27  }
0x60: {  	v23 =	vld [tilespmem:s31+$0x4EC0];
	v10 =	vunpack.i.u.bf16.f32 v16;
	v26 =	vunpack.i.l.bf16.f32 v31;
	v35 =	vunpack.i.u.bf16.f32 v31  }
0x61: {  	v29 =	vld [tilespmem:s31+$0x8100];
	v30 =	vadd.f32 v11, v9;
	v19 =	vsub.bf16 v19, v13;
	v13 =	vunpack.i.l.bf16.f32 v16  }
0x62: {  	v27 =	vld [tilespmem:s31+$0x4F10];
	v16 =	vmul.bf16 v28, v28;
	v34 =	vadd.f32 v24, v7;
	v7 =	vunpack.i.l.bf16.f32 v5  }
0x63: {  	v28 =	vld [tilespmem:s31+$0x4EE0];
	v9 =	vunpack.i.l.bf16.f32 v15;
	v32 =	vmul.bf16 v22, v22;
	v17 =	vmul.bf16 v19, v19  }
0x64: {  	v11 =	vunpack.i.u.bf16.f32 v12;
	v22 =	vld [tilespmem:s31+$0x4EF0];
	v31 =	vadd.f32 v26, v30;
	v26 =	vadd.f32 v35, v34  }
0x65: {  	s30 =	simm.s32 $0x400;
	v34 =	vmul.bf16 v18, v18;
	v30 =	vld [tilespmem:s31+$0x80F0];
	v24 =	vunpack.i.l.bf16.f32 v32;
	v19 =	vunpack.i.u.bf16.f32 v17  }
.LBB2_3:
0x66: {  	s31 =	sshra.s32 s30, $0x2;
	p0 =	sne.s32 s30, $0xC400;
	s30 =	sadd.s32 $0x400, s30;
	v35 =	vunpack.i.l.bf16.f32 v17;
	v14 =	vsub.bf16 v14, v20;
	v20 =	vsub.bf16 v25, v29  }
0x67: {  	v25 =	vunpack.i.u.bf16.f32 v32;
	v23 =	vsub.bf16 v23, v4;
	v21 =	vsub.bf16 v27, v21;
	v17 =	vld [tilespmem:s31+$0x80D0]  }
0x68: {  	v27 =	vunpack.i.u.bf16.f32 v34;
	v18 =	vld [tilespmem:s31+$0x4ED0];
	v14 =	vmul.bf16 v14, v14;
	v20 =	vmul.bf16 v20, v20  }
0x69: {  	v8 =	vadd.f32 v25, v8;
	v25 =	vunpack.i.l.bf16.f32 v34;
	v4 =	vld [tilespmem:s31+$0x80C0];
	v28 =	vsub.bf16 v28, v33  }
0x6a: {  	v25 =	vadd.f32 v25, v31;
	v21 =	vmul.bf16 v21, v21;
	v29 =	vld [tilespmem:s31+$0x4E90];
	v31 =	vunpack.i.u.bf16.f32 v20  }
0x6b: {  	v15 =	vunpack.i.u.bf16.f32 v15;
	v26 =	vadd.f32 v27, v26;
	v22 =	vsub.bf16 v22, v30;
	v32 =	vld [tilespmem:s31+$0x8090]  }
0x6c: {  	v6 =	vadd.f32 v24, v6;
	v23 =	vmul.bf16 v23, v23;
	v24 =	vmul.bf16 v28, v28;
	v27 =	vld [tilespmem:s31+$0x80B0]  }
0x6d: {  	v8 =	vadd.f32 v15, v8;
	v15 =	vunpack.i.u.bf16.f32 v16;
	v30 =	vunpack.i.l.bf16.f32 v14;
	v28 =	vld [tilespmem:s31+$0x4E50]  }
0x6e: {  	v12 =	vunpack.i.l.bf16.f32 v12;
	v3 =	vadd.f32 v35, v3;
	v14 =	vunpack.i.u.bf16.f32 v14;
	v33 =	vld [tilespmem:s31+$0x4EB0]  }
0x6f: {  	v16 =	vunpack.i.l.bf16.f32 v16;
	v2 =	vadd.f32 v30, v2;
	v22 =	vmul.bf16 v22, v22;
	v34 =	vld [tilespmem:s31+$0x8050]  }
0x70: {  	v3 =	vadd.f32 v13, v3;
	v13 =	vunpack.i.u.bf16.f32 v23;
	v0 =	vadd.f32 v14, v0;
	v30 =	vld [tilespmem:s31+$0x8070]  }
0x71: {  	v1 =	vadd.f32 v19, v1;
	v5 =	vunpack.i.u.bf16.f32 v5;
	v2 =	vadd.f32 v12, v2;
	v35 =	vld [tilespmem:s31+$0x4EA0]  }
0x72: {  	v6 =	vadd.f32 v9, v6;
	v9 =	vunpack.i.u.bf16.f32 v21;
	v0 =	vadd.f32 v11, v0;
	v12 =	vld [tilespmem:s31+$0x4E70]  }
0x73: {  	v1 =	vadd.f32 v10, v1;
	v10 =	vunpack.i.l.bf16.f32 v23;
	v3 =	vadd.f32 v16, v3;
	v11 =	vld [tilespmem:s31+$0x80A0]  }
0x74: {  	v19 =	vadd.f32 v9, v26;
	v2 =	vadd.f32 v10, v2;
	v10 =	vunpack.i.l.bf16.f32 v21;
	v16 =	vld [tilespmem:s31+$0x8080]  }
0x75: {  	v0 =	vadd.f32 v13, v0;
	v13 =	vunpack.i.l.bf16.f32 v20;
	v10 =	vadd.f32 v10, v25;
	v9 =	vld [tilespmem:s31+$0x4E60]  }
0x76: {  	v1 =	vadd.f32 v15, v1;
	v15 =	vunpack.i.l.bf16.f32 v22;
	v26 =	vsub.bf16 v33, v27;
	v14 =	vld [tilespmem:s31+$0x4E40]  }
0x77: {  	v3 =	vadd.f32 v15, v3;
	v0 =	vadd.f32 v31, v0;
	v20 =	vld [tilespmem:s31+$0x8060]  }
0x78: {  	v6 =	vadd.f32 v7, v6;
	v15 =	vsub.bf16 v28, v34;
	v21 =	vld [tilespmem:s31+$0x4E80]  }
0x79: {  	v5 =	vadd.f32 v5, v8;
	v8 =	vunpack.i.u.bf16.f32 v22;
	v2 =	vadd.f32 v13, v2;
	v7 =	vld [tilespmem:s31+$0x4E20]  }
0x7a: {  	v22 =	vunpack.i.u.bf16.f32 v24;
	v1 =	vadd.f32 v8, v1;
	v11 =	vsub.bf16 v35, v11;
	v13 =	vld [tilespmem:s31+$0x8020]  }
0x7b: {  	v23 =	vunpack.i.l.bf16.f32 v24;
	v8 =	vadd.f32 v22, v5;
	v12 =	vsub.bf16 v12, v30;
	v27 =	vld [tilespmem:s31+$0x8030]  }
0x7c: {  	v25 =	vsub.bf16 v29, v32;
	v24 =	vmul.bf16 v15, v15;
	v22 =	vld [tilespmem:s31+$0x4E30];
	v9 =	vsub.bf16 v9, v20  }
0x7d: {  	v6 =	vadd.f32 v23, v6;
	v5 =	vmul.bf16 v11, v11;
	v20 =	vld [tilespmem:s31+$0x8040];
	v16 =	vsub.bf16 v21, v16  }
0x7e: {  	v28 =	vmul.bf16 v12, v12;
	v11 =	vunpack.i.l.bf16.f32 v24;
	v15 =	vmul.bf16 v9, v9;
	v21 =	vld [tilespmem:s31+$0x8110]  }
0x7f: {  	v30 =	vadd.f32 v11, v10;
	v12 =	vmul.bf16 v16, v16;
	v23 =	vld [tilespmem:s31+$0x4EC0]  }
0x80: {  	v31 =	vmul.bf16 v25, v25;
	v24 =	vunpack.i.u.bf16.f32 v24;
	v9 =	vunpack.i.l.bf16.f32 v15;
	v25 =	vld [tilespmem:s31+$0x4F00]  }
0x81: {  	v7 =	vsub.bf16 v7, v13;
	v13 =	vunpack.i.l.bf16.f32 v28;
	v33 =	vsub.bf16 v22, v27;
	v29 =	vld [tilespmem:s31+$0x8100]  }
.Ltmp2:
0x82: {  	v34 =	vunpack.i.l.bf16.f32 v31;
	v10 =	vunpack.i.u.bf16.f32 v28;
	v11 =	vunpack.i.u.bf16.f32 v12;
	v27 =	vld [tilespmem:s31+$0x4F10];
	(pc) =	sbr.rel @p0 .LBB2_3-.Ltmp2, $4  }
0x83: {  	v18 =	vsub.bf16 v18, v17;
	v16 =	vmul.bf16 v26, v26;
	v32 =	vmul.bf16 v7, v7;
	v22 =	vld [tilespmem:s31+$0x4EF0]  }
0x84: {  	v26 =	vadd.f32 v24, v19;
	v7 =	vunpack.i.l.bf16.f32 v5;
	v17 =	vmul.bf16 v33, v33;
	v28 =	vld [tilespmem:s31+$0x4EE0]  }
0x85: {  	v35 =	vunpack.i.u.bf16.f32 v31;
	v31 =	vadd.f32 v34, v30;
	v24 =	vunpack.i.l.bf16.f32 v32;
	v33 =	vld [tilespmem:s31+$0x80E0]  }
0x86: {  	v34 =	vmul.bf16 v18, v18;
	v26 =	vadd.f32 v35, v26;
	v19 =	vunpack.i.u.bf16.f32 v17;
	v30 =	vld [tilespmem:s31+$0x80F0]  }
0x87: {  	p0 =	seq.s32 s29, $0x18  }
0x88: {  	s30 =	smul.u32 @!p0 $0x190, s29;
	_ =	sdelay $0x1  }
0x89: {  	s1 =	simm.s32 @!p0 $0xC8;
	s0 =	simm.s32 @!p0 $0x4E20;
	s31 =	sadd.s32 @!p0 $0x190, s30  }
0x8a: {  	[tilespmem:s0], [sflag:$0x1] =	stream.indirect.gather @!p0 [hbm4b:s5+s1], $0x40, s31, s1, $0xb8;
	[tilespmem:$0x1B2F0] =	vst v63  }
0x8b: {  	s0 =	sadd.s32 @!p0 $0x28A0, s30;
	s30 =	simm.s32 @!p0 $0x8020  }
0x8c: {  	[tilespmem:s30], [sflag:$0x2] =	stream.indirect.gather @!p0 [spmem:s3], $0x40, s0, s1, $0xb8;
	[tilespmem:$0x1B2F0] =	vst v63  }
0x8d: {  	_ =	swait.ge [sflag:s24], $0x3200  }
0x8e: {  	[sflag:s24] =	ssyncset.done $0x0  }
0x8f: {  	[sflag:s24] =	ssyncadd.s32 $0xFFFFCE00  }
0x90: {  	_ =	swait.ge [sflag:s25], $0x3200  }
0x91: {  	v17 =	vunpack.i.l.bf16.f32 v17;
	[sflag:s25] =	ssyncset.done $0x0  }
0x92: {  	v14 =	vsub.bf16 v14, v20;
	v18 =	vsub.bf16 v25, v29;
	v20 =	vunpack.i.u.bf16.f32 v32;
	s1 =	simm.s32 $0x0;
	[sflag:s25] =	ssyncadd.s32 $0xFFFFCE00  }
0x93: {  	v23 =	vsub.bf16 v23, v4;
	v21 =	vsub.bf16 v27, v21;
	v15 =	vunpack.i.u.bf16.f32 v15;
	v29 =	vld [tilespmem:s1+$0xE4D0]  }
0x94: {  	v6 =	vadd.f32 v24, v6;
	v12 =	vunpack.i.l.bf16.f32 v12;
	v1 =	vadd.f32 v19, v1;
	v35 =	vld [tilespmem:s1+$0xB2D0]  }
0x95: {  	v5 =	vunpack.i.u.bf16.f32 v5;
	v8 =	vadd.f32 v20, v8;
	v20 =	vunpack.i.l.bf16.f32 v34;
	v4 =	vld [tilespmem:s1+$0xE4C0]  }
0x96: {  	v25 =	vunpack.i.u.bf16.f32 v34;
	v20 =	vadd.f32 v20, v31;
	v27 =	vsub.bf16 v28, v33;
	v31 =	vld [tilespmem:s1+$0xB290]  }
0x97: {  	v3 =	vadd.f32 v17, v3;
	v14 =	vmul.bf16 v14, v14;
	v25 =	vadd.f32 v25, v26;
	v26 =	vld [tilespmem:s1+$0xE490]  }
0x98: {  	v18 =	vmul.bf16 v18, v18;
	v6 =	vadd.f32 v9, v6;
	v24 =	vmul.bf16 v27, v27;
	v27 =	vld [tilespmem:s1+$0xE4B0]  }
0x99: {  	v21 =	vmul.bf16 v21, v21;
	v1 =	vadd.f32 v10, v1;
	v8 =	vadd.f32 v15, v8;
	v61 =	vld [tilespmem:s1+$0xB250]  }
0x9a: {  	v22 =	vsub.bf16 v22, v30;
	v30 =	vunpack.i.l.bf16.f32 v14;
	v14 =	vunpack.i.u.bf16.f32 v14;
	v17 =	vld [tilespmem:s1+$0xB2B0]  }
0x9b: {  	v23 =	vmul.bf16 v23, v23;
	v2 =	vadd.f32 v30, v2;
	v0 =	vadd.f32 v14, v0;
	v14 =	vld [tilespmem:s1+$0xE450]  }
0x9c: {  	v15 =	vunpack.i.u.bf16.f32 v16;
	v16 =	vunpack.i.l.bf16.f32 v16;
	v3 =	vadd.f32 v13, v3;
	v13 =	vld [tilespmem:s1+$0xE470]  }
0x9d: {  	v19 =	vunpack.i.u.bf16.f32 v23;
	v9 =	vunpack.i.l.bf16.f32 v23;
	v2 =	vadd.f32 v12, v2;
	v12 =	vld [tilespmem:s1+$0xB2A0]  }
0x9e: {  	v10 =	vunpack.i.u.bf16.f32 v21;
	v6 =	vadd.f32 v7, v6;
	v0 =	vadd.f32 v11, v0;
	v11 =	vld [tilespmem:s1+$0xB270]  }
0x9f: {  	v3 =	vadd.f32 v16, v3;
	v30 =	vadd.f32 v10, v25;
	v22 =	vmul.bf16 v22, v22;
	v16 =	vld [tilespmem:s1+$0xE4A0]  }
0xa0: {  	v2 =	vadd.f32 v9, v2;
	v9 =	vunpack.i.l.bf16.f32 v21;
	v0 =	vadd.f32 v19, v0;
	v19 =	vld [tilespmem:s1+$0xE480]  }
0xa1: {  	v28 =	vunpack.i.u.bf16.f32 v18;
	v10 =	vadd.f32 v15, v1;
	v23 =	vadd.f32 v9, v20;
	v20 =	vld [tilespmem:s1+$0xB260]  }
0xa2: {  	v5 =	vadd.f32 v5, v8;
	v15 =	vunpack.i.u.bf16.f32 v24;
	v1 =	vunpack.i.l.bf16.f32 v22;
	v7 =	vld [tilespmem:s1+$0xE460]  }
0xa3: {  	v8 =	vunpack.i.u.bf16.f32 v22;
	v1 =	vadd.f32 v1, v3;
	v3 =	vunpack.i.l.bf16.f32 v18;
	v18 =	vld [tilespmem:s1+$0xB280]  }
0xa4: {  	v3 =	vadd.f32 v3, v2;
	v2 =	vadd.f32 v8, v10;
	v8 =	vunpack.i.l.bf16.f32 v24;
	v24 =	vld [tilespmem:s1+$0xB220]  }
0xa5: {  	v15 =	vadd.f32 v15, v5;
	v10 =	vadd.f32 v8, v6;
	v6 =	vld [tilespmem:s1+$0xE420]  }
0xa6: {  	v9 =	vld [tilespmem:s1+$0xB240];
	v5 =	vsub.bf16 v61, v14;
	v14 =	vsub.bf16 v17, v27  }
0xa7: {  	v21 =	vld [tilespmem:s1+$0xE510];
	v8 =	vsub.bf16 v12, v16;
	v11 =	vsub.bf16 v11, v13  }
0xa8: {  	v16 =	vld [tilespmem:s1+$0xE430];
	v7 =	vsub.bf16 v20, v7;
	v26 =	vsub.bf16 v31, v26  }
0xa9: {  	v13 =	vld [tilespmem:s1+$0xB230];
	v12 =	vsub.bf16 v18, v19;
	v25 =	vmul.bf16 v5, v5;
	v5 =	vmul.bf16 v8, v8  }
0xaa: {  	v22 =	vld [tilespmem:s1+$0xB2C0];
	v6 =	vsub.bf16 v24, v6;
	v17 =	vmul.bf16 v7, v7;
	v11 =	vmul.bf16 v11, v11  }
0xab: {  	v33 =	vld [tilespmem:s1+$0xE4E0];
	v63 =	vsub.bf16 v35, v29;
	v12 =	vmul.bf16 v12, v12;
	v31 =	vmul.bf16 v26, v26  }
0xac: {  	v0 =	vadd.f32 v28, v0;
	v20 =	vld [tilespmem:s1+$0xE440];
	v32 =	vmul.bf16 v6, v6;
	v18 =	vmul.bf16 v14, v14  }
0xad: {  	v26 =	vld [tilespmem:s1+$0xE500];
	v34 =	vmul.bf16 v63, v63;
	v8 =	vunpack.i.l.bf16.f32 v25;
	v28 =	vunpack.i.u.bf16.f32 v25  }
0xae: {  	v7 =	vunpack.i.l.bf16.f32 v17;
	v25 =	vld [tilespmem:s1+$0xB300];
	v62 =	vunpack.i.l.bf16.f32 v31;
	v16 =	vsub.bf16 v13, v16  }
0xaf: {  	v27 =	vld [tilespmem:s1+$0xB310];
	v6 =	vunpack.i.l.bf16.f32 v5;
	v24 =	vunpack.i.l.bf16.f32 v32;
	v29 =	vunpack.i.u.bf16.f32 v31  }
0xb0: {  	v31 =	vld [tilespmem:s1+$0xE4F0];
	v19 =	vadd.f32 v8, v23;
	v14 =	vmul.bf16 v16, v16;
	v16 =	vadd.f32 v28, v30  }
0xb1: {  	v13 =	vunpack.i.l.bf16.f32 v11;
	v8 =	vunpack.i.u.bf16.f32 v11;
	v11 =	vunpack.i.u.bf16.f32 v12;
	v28 =	vld [tilespmem:s1+$0xB2E0]  }
0xb2: {  	s30 =	simm.s32 $0x400;
	v23 =	vld [tilespmem:s1+$0xB2F0];
	v30 =	vadd.f32 v62, v19;
	v19 =	vunpack.i.u.bf16.f32 v14;
	v29 =	vadd.f32 v29, v16  }
.LBB2_5:
0xb3: {  	s31 =	sshra.s32 s30, $0x2;
	p1 =	sne.s32 s30, $0xC400;
	s30 =	sadd.s32 $0x400, s30;
	v35 =	vunpack.i.l.bf16.f32 v14;
	v9 =	vsub.bf16 v9, v20;
	v20 =	vsub.bf16 v25, v26  }
0xb4: {  	v25 =	vunpack.i.u.bf16.f32 v32;
	v22 =	vsub.bf16 v22, v4;
	v21 =	vsub.bf16 v27, v21;
	v14 =	vld [tilespmem:s31+$0xE4D0]  }
0xb5: {  	v26 =	vunpack.i.u.bf16.f32 v34;
	v16 =	vld [tilespmem:s31+$0xB2D0];
	v9 =	vmul.bf16 v9, v9;
	v20 =	vmul.bf16 v20, v20  }
0xb6: {  	v15 =	vadd.f32 v25, v15;
	v25 =	vunpack.i.l.bf16.f32 v34;
	v4 =	vld [tilespmem:s31+$0xE4C0];
	v27 =	vsub.bf16 v28, v33  }
0xb7: {  	v25 =	vadd.f32 v25, v30;
	v21 =	vmul.bf16 v21, v21;
	v28 =	vld [tilespmem:s31+$0xB290];
	v30 =	vunpack.i.u.bf16.f32 v20  }
0xb8: {  	v17 =	vunpack.i.u.bf16.f32 v17;
	v26 =	vadd.f32 v26, v29;
	v23 =	vsub.bf16 v23, v31;
	v32 =	vld [tilespmem:s31+$0xE490]  }
0xb9: {  	v10 =	vadd.f32 v24, v10;
	v22 =	vmul.bf16 v22, v22;
	v24 =	vmul.bf16 v27, v27;
	v29 =	vld [tilespmem:s31+$0xE4B0]  }
0xba: {  	v15 =	vadd.f32 v17, v15;
	v17 =	vunpack.i.u.bf16.f32 v18;
	v31 =	vunpack.i.l.bf16.f32 v9;
	v27 =	vld [tilespmem:s31+$0xB250]  }
0xbb: {  	v12 =	vunpack.i.l.bf16.f32 v12;
	v1 =	vadd.f32 v35, v1;
	v9 =	vunpack.i.u.bf16.f32 v9;
	v33 =	vld [tilespmem:s31+$0xB2B0]  }
0xbc: {  	v18 =	vunpack.i.l.bf16.f32 v18;
	v3 =	vadd.f32 v31, v3;
	v23 =	vmul.bf16 v23, v23;
	v34 =	vld [tilespmem:s31+$0xE450]  }
0xbd: {  	v1 =	vadd.f32 v13, v1;
	v0 =	vadd.f32 v9, v0;
	v9 =	vunpack.i.u.bf16.f32 v22;
	v31 =	vld [tilespmem:s31+$0xE470]  }
0xbe: {  	v2 =	vadd.f32 v19, v2;
	v5 =	vunpack.i.u.bf16.f32 v5;
	v3 =	vadd.f32 v12, v3;
	v13 =	vld [tilespmem:s31+$0xB2A0]  }
0xbf: {  	v7 =	vadd.f32 v7, v10;
	v10 =	vunpack.i.u.bf16.f32 v21;
	v0 =	vadd.f32 v11, v0;
	v12 =	vld [tilespmem:s31+$0xB270]  }
0xc0: {  	v2 =	vadd.f32 v8, v2;
	v8 =	vunpack.i.l.bf16.f32 v22;
	v1 =	vadd.f32 v18, v1;
	v11 =	vld [tilespmem:s31+$0xE4A0]  }
0xc1: {  	v19 =	vadd.f32 v10, v26;
	v3 =	vadd.f32 v8, v3;
	v8 =	vunpack.i.l.bf16.f32 v21;
	v18 =	vld [tilespmem:s31+$0xE480]  }
0xc2: {  	v20 =	vunpack.i.l.bf16.f32 v20;
	v0 =	vadd.f32 v9, v0;
	v8 =	vadd.f32 v8, v25;
	v10 =	vld [tilespmem:s31+$0xB260]  }
0xc3: {  	v2 =	vadd.f32 v17, v2;
	v17 =	vunpack.i.l.bf16.f32 v23;
	v29 =	vsub.bf16 v33, v29;
	v9 =	vld [tilespmem:s31+$0xB240]  }
0xc4: {  	v1 =	vadd.f32 v17, v1;
	v0 =	vadd.f32 v30, v0;
	v21 =	vld [tilespmem:s31+$0xE460]  }
0xc5: {  	v6 =	vadd.f32 v6, v7;
	v17 =	vsub.bf16 v27, v34;
	v22 =	vld [tilespmem:s31+$0xB280]  }
0xc6: {  	v5 =	vadd.f32 v5, v15;
	v7 =	vunpack.i.u.bf16.f32 v23;
	v3 =	vadd.f32 v20, v3;
	v26 =	vld [tilespmem:s31+$0xB220]  }
0xc7: {  	v2 =	vadd.f32 v7, v2;
	v11 =	vsub.bf16 v13, v11;
	v13 =	vunpack.i.u.bf16.f32 v24;
	v23 =	vld [tilespmem:s31+$0xE420]  }
0xc8: {  	v7 =	vsub.bf16 v12, v31;
	v12 =	vunpack.i.l.bf16.f32 v24;
	v15 =	vadd.f32 v13, v5;
	v27 =	vld [tilespmem:s31+$0xE430]  }
0xc9: {  	v25 =	vsub.bf16 v28, v32;
	v24 =	vmul.bf16 v17, v17;
	v13 =	vld [tilespmem:s31+$0xB230];
	v17 =	vsub.bf16 v10, v21  }
0xca: {  	v5 =	vmul.bf16 v11, v11;
	v10 =	vadd.f32 v12, v6;
	v20 =	vld [tilespmem:s31+$0xE440];
	v18 =	vsub.bf16 v22, v18  }
0xcb: {  	v11 =	vmul.bf16 v7, v7;
	v6 =	vunpack.i.l.bf16.f32 v24;
	v17 =	vmul.bf16 v17, v17;
	v21 =	vld [tilespmem:s31+$0xE510]  }
0xcc: {  	v30 =	vadd.f32 v6, v8;
	v12 =	vmul.bf16 v18, v18;
	v22 =	vld [tilespmem:s31+$0xB2C0]  }
0xcd: {  	v31 =	vmul.bf16 v25, v25;
	v6 =	vunpack.i.u.bf16.f32 v24;
	v7 =	vunpack.i.l.bf16.f32 v17;
	v25 =	vld [tilespmem:s31+$0xB300]  }
0xce: {  	v18 =	vsub.bf16 v26, v23;
	v24 =	vsub.bf16 v13, v27;
	v13 =	vunpack.i.l.bf16.f32 v11;
	v26 =	vld [tilespmem:s31+$0xE500]  }
.Ltmp3:
0xcf: {  	v33 =	vunpack.i.l.bf16.f32 v31;
	v8 =	vunpack.i.u.bf16.f32 v11;
	v11 =	vunpack.i.u.bf16.f32 v12;
	v27 =	vld [tilespmem:s31+$0xB310];
	(pc) =	sbr.rel @p1 .LBB2_5-.Ltmp3, $4  }
0xd0: {  	v16 =	vsub.bf16 v16, v14;
	v32 =	vmul.bf16 v18, v18;
	v18 =	vmul.bf16 v29, v29;
	v23 =	vld [tilespmem:s31+$0xB2F0]  }
0xd1: {  	v29 =	vadd.f32 v6, v19;
	v6 =	vunpack.i.l.bf16.f32 v5;
	v14 =	vmul.bf16 v24, v24;
	v28 =	vld [tilespmem:s31+$0xB2E0]  }
0xd2: {  	v31 =	vunpack.i.u.bf16.f32 v31;
	v30 =	vadd.f32 v33, v30;
	v24 =	vunpack.i.l.bf16.f32 v32;
	v33 =	vld [tilespmem:s31+$0xE4E0]  }
0xd3: {  	v34 =	vmul.bf16 v16, v16;
	v29 =	vadd.f32 v31, v29;
	v19 =	vunpack.i.u.bf16.f32 v14;
	v31 =	vld [tilespmem:s31+$0xE4F0]  }
0xd4: {  	v9 =	vsub.bf16 v9, v20;
	v16 =	vsub.bf16 v25, v26  }
0xd5: {  	v14 =	vunpack.i.l.bf16.f32 v14;
	v54 =	vunpack.i.u.bf16.f32 v32;
	v4 =	vsub.bf16 v22, v4  }
0xd6: {  	v21 =	vsub.bf16 v27, v21;
	v17 =	vunpack.i.u.bf16.f32 v17;
	v10 =	vadd.f32 v24, v10  }
0xd7: {  	v61 =	vunpack.i.u.bf16.f32 v18;
	v12 =	vunpack.i.l.bf16.f32 v12;
	v62 =	vunpack.i.l.bf16.f32 v18  }
0xd8: {  	v2 =	vadd.f32 v19, v2;
	v5 =	vunpack.i.u.bf16.f32 v5;
	v55 =	vunpack.i.u.bf16.f32 v34  }
0xd9: {  	v15 =	vadd.f32 v54, v15;
	v56 =	vunpack.i.l.bf16.f32 v34;
	v1 =	vadd.f32 v14, v1  }
0xda: {  	v9 =	vmul.bf16 v9, v9;
	v16 =	vmul.bf16 v16, v16;
	v20 =	vadd.f32 v56, v30  }
0xdb: {  	v21 =	vmul.bf16 v21, v21;
	v22 =	vadd.f32 v55, v29;
	v10 =	vadd.f32 v7, v10  }
0xdc: {  	v4 =	vmul.bf16 v4, v4;
	v2 =	vadd.f32 v8, v2;
	v57 =	vsub.bf16 v28, v33  }
0xdd: {  	v15 =	vadd.f32 v17, v15;
	v1 =	vadd.f32 v13, v1;
	v58 =	vunpack.i.u.bf16.f32 v16  }
0xde: {  	v23 =	vsub.bf16 v23, v31;
	v60 =	vunpack.i.l.bf16.f32 v9;
	v9 =	vunpack.i.u.bf16.f32 v9  }
0xdf: {  	v7 =	vunpack.i.u.bf16.f32 v21;
	v8 =	vadd.f32 v61, v2;
	v3 =	vadd.f32 v60, v3  }
0xe0: {  	v6 =	vadd.f32 v6, v10;
	v59 =	vmul.bf16 v57, v57;
	v0 =	vadd.f32 v9, v0  }
0xe1: {  	v9 =	vunpack.i.u.bf16.f32 v4;
	v1 =	vadd.f32 v62, v1;
	v3 =	vadd.f32 v12, v3  }
0xe2: {  	v4 =	vunpack.i.l.bf16.f32 v4;
	v63 =	vmul.bf16 v23, v23;
	v0 =	vadd.f32 v11, v0  }
0xe3: {  	v7 =	vadd.f32 v7, v22;
	v4 =	vadd.f32 v4, v3;
	v3 =	vunpack.i.l.bf16.f32 v21  }
.Ltmp4:
0xe4: {  	v0 =	vadd.f32 v9, v0;
	v9 =	vadd.f32 v3, v20;
	v3 =	vunpack.i.l.bf16.f32 v63;
	(pc) =	sbr.rel @p0 .LBB2_8-.Ltmp4, $4  }
0xe5: {  	v5 =	vadd.f32 v5, v15;
	v3 =	vadd.f32 v3, v1;
	v1 =	vunpack.i.l.bf16.f32 v16  }
0xe6: {  	v10 =	vunpack.i.u.bf16.f32 v63;
	v0 =	vadd.f32 v58, v0;
	v2 =	vadd.f32 v1, v4  }
0xe7: {  	v4 =	vunpack.i.u.bf16.f32 v59;
	v1 =	vadd.f32 v10, v8;
	v10 =	vunpack.i.l.bf16.f32 v59  }
0xe8: {  	v8 =	vadd.f32 v4, v5;
	v6 =	vadd.f32 v10, v6  }
0xe9: {  	s0 =	smul.u32 $0x190, s29  }
.Ltmp5:
0xea: {  	_ = 	snop;
	(pc) =	sbr.rel .LBB2_2-.Ltmp5, $4  }
0xeb: {  	s1 =	sadd.s32 $0x258, s0  }
0xec: {  	[tilespmem:s19], [sflag:$0x3] =	stream.indirect.gather [hbm4b:s5+s16], $0x40, s1, s16, $0xb8;
	[tilespmem:$0x1B2F0] =	vst v63  }
0xed: {  	s29 =	sadd.s32 $0x1, s29;
	s0 =	sadd.s32 $0x2968, s0  }
0xee: {  	[tilespmem:s21], [sflag:$0x4] =	stream.indirect.gather [spmem:s3], $0x40, s0, s16, $0xb8;
	[tilespmem:$0x1B2F0] =	vst v63  }
.LBB2_9:
0xef: {  	_ =	sfence.sel $0x180000  }
0xf0: {  	[bflag:$0x0] =	sbarrier.arrive $0xFFFF  }
0xf1: {  	_ =	strace $0x9000004A  }
0xf2: {  	s0 =	stileid.u32;
	[bflag:$0x2] =	sbarrier.arrive $0xFFFF  }
0xf3: {  	p0 =	sne.s32 s0, $0x0;
	s0 =	rddreg [dreg:$0x3]  }
0xf4: {  	s0 =	sadd.s32 @!p0 $0x100000, s0  }
0xf5: {  	[sflag:s0] =	ssyncadd.tile.s32 @!p0 $0x1;
	_ =	shalt  }
.Lfunc_end2:
_tile_overlayer_lowered:
.L_overlay_start_2:
0xf6: {  	(tag) =	ssettag $0x2  }
0xf7: {  	s0 =	rddreg [dreg:$0x0];
	s2 =	stileid.u32  }
0xf8: {  	s1 =	rddreg [dreg:$0x1];
	p0 =	sne.s32 s2, $0x0  }
0xf9: {  	s3 =	rddreg [dreg:$0x2];
	[bflag:$0x3] =	sbarrier.arrive $0xFFFF;
	s2 =	simm.s32 @!p0 $0x1C05  }
0xfa: {  	[timem:s3], [sflag:s2] =	dma.local @!p0 [hbm:s0], s1  }
0xfb: {  	s0 =	simm.s32 @!p0 $0x5  }
0xfc: {  	_ =	swait.ge @!p0 [sflag:s0], s1  }
0xfd: {  	s1 =	ssub.s32 @!p0 $0x0, s1;
	[sflag:s0] =	ssyncset.done @!p0 $0x0  }
0xfe: {  	[sflag:s0] =	ssyncadd.s32 @!p0 s1  }
0xff: {  	[bflag:$0x3] =	sbarrier.arrive $0xFFFF  }
0x100: {  	_ =	shalt  }

</sc_bundles>
